<compile_context>
chip_gen: v7x
topology: tpu7x:2x2x1
jax: 0.10.2.dev20260603
libtpu: 0.0.44.dev20260713+nightly
codegen_flags: <defaults>
</compile_context>

<pallas_src>
import functools

import jax
import jax.numpy as jnp
from jax import lax
from jax.experimental import pallas as pl
from jax.experimental.pallas import tpu as pltpu
from jax.experimental.pallas import tpu_sc as plsc

HID = 64
H = 4
N_USER, N_MERCH, N_DEV = 50000, 10000, 10000

NC, NS, LANES = 2, 16, 16
NW = NC * NS
G = 8
SLAB = G * 128
MULT = NW * SLAB

_SC_PARAMS = pltpu.CompilerParams(use_tc_tiling_on_sc=False)
_SC_PARAMS_NL = pltpu.CompilerParams(use_tc_tiling_on_sc=False,
                                     needs_layout_passes=False)
_MESH = dict(core_axis_name="c", subcore_axis_name="s")


def _rup(x, m):
    return ((x + m - 1) // m) * m


def _pad_flat(row, pad):
    e = row.shape[0]
    ep = _rup(e, MULT)
    return jnp.concatenate([row.astype(jnp.int32),
                            jnp.full((ep - e,), pad, jnp.int32)])


def _pad_edges(ei, trash):
    src = _pad_flat(ei[0], 0).reshape(-1, 128)
    dst = _pad_flat(ei[1], trash).reshape(-1, 128)
    return src, dst


def _zero_rows(zbuf, width):
    def zrow(i, _):
        for k in range(width // 16):
            zbuf[i, pl.ds(k * 16, 16)] = jnp.zeros((16,), jnp.float32)
        return 0
    lax.fori_loop(0, 128, zrow, 0)


def _zero_acc(acc, zbuf, s, r_acc):
    def zacc(i, _):
        pltpu.sync_copy(zbuf, acc.at[pl.ds(s * (r_acc // NS) + i * 128, 128)])
        return 0
    lax.fori_loop(0, r_acc // 2048, zacc, 0)


def _writeback(acc, out_hbm, c, s, r_out):
    def wb(i, _):
        off = s * (r_out // NS) + i * 128
        pltpu.sync_copy(acc.at[pl.ds(off, 128)],
                        out_hbm.at[pl.ds(c * r_out + off, 128)])
        return 0
    lax.fori_loop(0, r_out // 2048, wb, 0)


@functools.partial(jax.jit, static_argnames=("nseg",))
def _sc_seg_sum(x, s2d, d2d, *, nseg):
    rows_total = s2d.shape[0]
    r_acc = _rup(nseg + 1, 2048)
    rows_w = rows_total // NW
    nslab = rows_w // G

    def body(x_hbm, s_hbm, d_hbm, out_hbm, acc, s_slab, d_slab, rows, zbuf, sem, sem2):
        c = lax.axis_index("c")
        s = lax.axis_index("s")
        wid = s * NC + c
        _zero_rows(zbuf, HID)
        _zero_acc(acc, zbuf, s, r_acc)
        plsc.subcore_barrier()

        def slab(i, _):
            r0 = wid * rows_w + i * G
            pltpu.sync_copy(s_hbm.at[pl.ds(r0, G)], s_slab)
            pltpu.sync_copy(d_hbm.at[pl.ds(r0, G)], d_slab)
            cps = [pltpu.async_copy(x_hbm.at[s_slab.at[j]], rows.at[j], sem)
                   for j in range(G)]
            scs = []
            for j in range(G):
                cps[j].wait()
                scs.append(pltpu.async_copy(rows.at[j], acc.at[d_slab.at[j]],
                                            sem2, add=True))
            for sc_cp in scs:
                sc_cp.wait()
            return 0

        lax.fori_loop(0, nslab, slab, 0)
        plsc.subcore_barrier()
        _writeback(acc, out_hbm, c, s, r_acc)

    out = pl.kernel(
        body,
        out_type=jax.ShapeDtypeStruct((2 * r_acc, HID), jnp.float32),
        mesh=plsc.VectorSubcoreMesh(**_MESH),
        compiler_params=_SC_PARAMS,
        scratch_types=[
            pltpu.VMEM_SHARED((r_acc, HID), jnp.float32),
            pltpu.VMEM((G, 128), jnp.int32),
            pltpu.VMEM((G, 128), jnp.int32),
            pltpu.VMEM((G, 128, HID), jnp.float32),
            pltpu.VMEM((128, HID), jnp.float32),
            pltpu.SemaphoreType.DMA,
            pltpu.SemaphoreType.DMA,
        ],
    )(x, s2d, d2d)
    return out[:nseg] + out[r_acc:r_acc + nseg]


@functools.partial(jax.jit, static_argnames=("nseg",))
def _sc_seg_count(d2d, *, nseg):
    rows_total = d2d.shape[0]
    r_acc = _rup(nseg + 1, 2048)
    rows_w = rows_total // NW
    nslab = rows_w // G

    def body(d_hbm, out_hbm, acc, d_slab, ones, sem):
        c = lax.axis_index("c")
        s = lax.axis_index("s")
        wid = s * NC + c
        _zero_rows(ones, 16)
        _zero_acc(acc, ones, s, r_acc)

        def orow(i, _):
            ones[i, pl.ds(0, 16)] = jnp.ones((16,), jnp.float32)
            return 0

        lax.fori_loop(0, 128, orow, 0)
        plsc.subcore_barrier()

        def slab(i, _):
            r0 = wid * rows_w + i * G
            pltpu.sync_copy(d_hbm.at[pl.ds(r0, G)], d_slab)
            scs = [pltpu.async_copy(ones, acc.at[d_slab.at[j]], sem, add=True)
                   for j in range(G)]
            for sc_cp in scs:
                sc_cp.wait()
            return 0

        lax.fori_loop(0, nslab, slab, 0)
        plsc.subcore_barrier()
        _writeback(acc, out_hbm, c, s, r_acc)

    out = pl.kernel(
        body,
        out_type=jax.ShapeDtypeStruct((2 * r_acc, 16), jnp.float32),
        mesh=plsc.VectorSubcoreMesh(**_MESH),
        compiler_params=_SC_PARAMS,
        scratch_types=[
            pltpu.VMEM_SHARED((r_acc, 16), jnp.float32),
            pltpu.VMEM((G, 128), jnp.int32),
            pltpu.VMEM((128, 16), jnp.float32),
            pltpu.SemaphoreType.DMA,
        ],
    )(d2d)
    return out[:nseg, 0] + out[r_acc:r_acc + nseg, 0]


R_HALF = 25088


@jax.jit
def _sc_seg_sum_edge(vals, d2d):
    rows_total = d2d.shape[0]
    rows_w = rows_total // NS
    nslab = rows_w // 2

    def body(v_hbm, d_hbm, out_hbm, acc, d_slab, dloc, vbuf, zbuf, sem):
        c = lax.axis_index("c")
        s = lax.axis_index("s")

        def zr(i, _):
            for k in range(4):
                zbuf[i, pl.ds(k * 16, 16)] = jnp.zeros((16,), jnp.float32)
            return 0

        lax.fori_loop(0, 32, zr, 0)

        def zacc(i, _):
            pltpu.sync_copy(zbuf, acc.at[pl.ds(s * (R_HALF // NS) + i * 32, 32)])
            return 0

        lax.fori_loop(0, R_HALF // (NS * 32), zacc, 0)
        plsc.subcore_barrier()
        base = c * 25000

        def slab(i, _):
            r0 = s * rows_w + i * 2
            pltpu.sync_copy(d_hbm.at[pl.ds(r0, 2)], d_slab)
            pltpu.sync_copy(v_hbm.at[pl.ds(r0 * 128, 256)], vbuf)

            def lix(r, _):
                v = d_slab[r // 8, pl.ds((r % 8) * 16, 16)]
                loc = v - base
                ok = (loc >= 0) & (loc < 25000)
                dloc[r // 8, pl.ds((r % 8) * 16, 16)] = jnp.where(ok, loc, 25000)
                return 0

            lax.fori_loop(0, 16, lix, 0)
            scs = [pltpu.async_copy(vbuf.at[pl.ds(j * 128, 128)],
                                    acc.at[dloc.at[j]], sem, add=True)
                   for j in range(2)]
            for sc_cp in scs:
                sc_cp.wait()
            return 0

        lax.fori_loop(0, nslab, slab, 0)
        plsc.subcore_barrier()

        def wb(i, _):
            off = s * (R_HALF // NS) + i * 32
            pltpu.sync_copy(acc.at[pl.ds(off, 32)],
                            out_hbm.at[pl.ds(c * R_HALF + off, 32)])
            return 0

        lax.fori_loop(0, R_HALF // (NS * 32), wb, 0)

    out = pl.kernel(
        body,
        out_type=jax.ShapeDtypeStruct((2 * R_HALF, HID), jnp.float32),
        mesh=plsc.VectorSubcoreMesh(**_MESH),
        compiler_params=_SC_PARAMS,
        scratch_types=[
            pltpu.VMEM_SHARED((R_HALF, HID), jnp.float32),
            pltpu.VMEM((2, 128), jnp.int32),
            pltpu.VMEM((2, 128), jnp.int32),
            pltpu.VMEM((256, HID), jnp.float32),
            pltpu.VMEM((32, HID), jnp.float32),
            pltpu.SemaphoreType.DMA,
        ],
    )(vals, d2d)
    return jnp.concatenate([out[:25000], out[R_HALF:R_HALF + 25000]], axis=0)


G4 = 4
SLAB4 = G4 * 128


@jax.jit
def _sc_gat_edge(asrc_p, adst_p, g16, s_flat, d2d):
    rows_total = d2d.shape[0]
    rows_w = rows_total // NW
    nslab = rows_w // G4

    def body(va, vb, gh, s_hbm, d_hbm, e4_out, s_slab, d_slab, arows, brows,
             e4buf, gbuf, sem):
        c = lax.axis_index("c")
        s = lax.axis_index("s")
        wid = s * NC + c
        pltpu.sync_copy(gh, gbuf)

        def slab(i, _):
            r0 = wid * rows_w + i * G4
            pltpu.sync_copy(s_hbm.at[pl.ds(r0 * 128, SLAB4)], s_slab)
            pltpu.sync_copy(d_hbm.at[pl.ds(r0, G4)], d_slab)
            cps = [pltpu.async_copy(va.at[s_slab.at[pl.ds(j * 128, 128)]],
                                    arows.at[pl.ds(j * 128, 128)], sem)
                   for j in range(G4)]
            cps += [pltpu.async_copy(vb.at[d_slab.at[j]],
                                     brows.at[pl.ds(j * 128, 128)], sem)
                    for j in range(G4)]
            for cp in cps:
                cp.wait()
            gv = gbuf[...]

            def ew(r8, _):
                for k in range(8):
                    r = r8 * 8 + k
                    av = arows[r, pl.ds(0, 16)] + brows[r, pl.ds(0, 16)]
                    lv = jnp.where(av > 0, av, 0.2 * av) - gv
                    e4buf[r, pl.ds(0, 16)] = jnp.exp(lv)
                return 0

            lax.fori_loop(0, SLAB4 // 8, ew, 0)
            pltpu.sync_copy(e4buf, e4_out.at[pl.ds(r0 * 128, SLAB4)])
            return 0

        lax.fori_loop(0, nslab, slab, 0)

    return pl.kernel(
        body,
        out_type=jax.ShapeDtypeStruct((rows_total * 128, HID), jnp.float32),
        mesh=plsc.VectorSubcoreMesh(**_MESH),
        compiler_params=_SC_PARAMS,
        scratch_types=[
            pltpu.VMEM((SLAB4,), jnp.int32),
            pltpu.VMEM((G4, 128), jnp.int32),
            pltpu.VMEM((SLAB4, 16), jnp.float32),
            pltpu.VMEM((SLAB4, 16), jnp.float32),
            pltpu.VMEM((SLAB4, HID), jnp.float32),
            pltpu.VMEM((16,), jnp.float32),
            pltpu.SemaphoreType.DMA,
        ],
    )(asrc_p, adst_p, g16, s_flat, d2d)


G5 = 2
SLAB5 = G5 * 128


@jax.jit
def _sc_gat_msg(hsmat, e4in, invd_p, s_flat, d2d):
    rows_total = d2d.shape[0]
    rows_w = rows_total // NW
    nslab = rows_w // G5

    def body(hs_hbm, e4_hbm, vd_hbm, s_hbm, d_hbm, msg_out, s_slab, d_slab,
             hsrows, vrows, iobuf, sem):
        c = lax.axis_index("c")
        s = lax.axis_index("s")
        wid = s * NC + c

        def slab(i, _):
            r0 = wid * rows_w + i * G5
            pltpu.sync_copy(s_hbm.at[pl.ds(r0 * 128, SLAB5)], s_slab)
            pltpu.sync_copy(d_hbm.at[pl.ds(r0, G5)], d_slab)
            cps = [pltpu.async_copy(hs_hbm.at[s_slab.at[pl.ds(j * 128, 128)]],
                                    hsrows.at[pl.ds(j * 128, 128)], sem)
                   for j in range(G5)]
            cps += [pltpu.async_copy(vd_hbm.at[d_slab.at[j]],
                                     vrows.at[pl.ds(j * 128, 128)], sem)
                    for j in range(G5)]
            pltpu.sync_copy(e4_hbm.at[pl.ds(r0 * 128, SLAB5)], iobuf)
            for cp in cps:
                cp.wait()

            def ew(r2, _):
                for v in range(2):
                    r = r2 * 2 + v
                    coef = iobuf[r, pl.ds(0, 16)] * vrows[r, pl.ds(0, 16)]
                    m = [None] * 4
                    for h in range(H):
                        bc = coef.at[jnp.full((16,), h, jnp.int32)].get(
                            mode="promise_in_bounds")
                        for k in range(4):
                            t = bc * hsrows[r, pl.ds(h * 64 + k * 16, 16)]
                            m[k] = t if h == 0 else m[k] + t
                    for k in range(4):
                        iobuf[r, pl.ds(k * 16, 16)] = m[k]
                return 0

            lax.fori_loop(0, SLAB5 // 2, ew, 0)
            pltpu.sync_copy(iobuf, msg_out.at[pl.ds(r0 * 128, SLAB5)])
            return 0

        lax.fori_loop(0, nslab, slab, 0)

    return pl.kernel(
        body,
        out_type=jax.ShapeDtypeStruct((rows_total * 128, HID), jnp.float32),
        mesh=plsc.VectorSubcoreMesh(**_MESH),
        compiler_params=_SC_PARAMS,
        scratch_types=[
            pltpu.VMEM((SLAB5,), jnp.int32),
            pltpu.VMEM((G5, 128), jnp.int32),
            pltpu.VMEM((SLAB5, 4 * HID), jnp.float32),
            pltpu.VMEM((SLAB5, 16), jnp.float32),
            pltpu.VMEM((SLAB5, HID), jnp.float32),
            pltpu.SemaphoreType.DMA,
        ],
    )(hsmat, e4in, invd_p, s_flat, d2d)


@jax.jit
def _sc_gather(x, s_flat):
    ep = s_flat.shape[0]
    rows_total = ep // 128
    rows_w = rows_total // NW
    nslab = rows_w // G

    def body(x_hbm, s_hbm, out_hbm, s_slab, rows, sem):
        c = lax.axis_index("c")
        s = lax.axis_index("s")
        wid = s * NC + c

        def slab(i, _):
            e0 = (wid * rows_w + i * G) * 128
            pltpu.sync_copy(s_hbm.at[pl.ds(e0, SLAB)], s_slab)
            cps = [pltpu.async_copy(x_hbm.at[s_slab.at[pl.ds(j * 128, 128)]],
                                    rows.at[pl.ds(j * 128, 128)], sem)
                   for j in range(G)]
            for cp in cps:
                cp.wait()
            pltpu.sync_copy(rows, out_hbm.at[pl.ds(e0, SLAB)])
            return 0

        lax.fori_loop(0, nslab, slab, 0)

    return pl.kernel(
        body,
        out_type=jax.ShapeDtypeStruct((ep, HID), jnp.float32),
        mesh=plsc.VectorSubcoreMesh(**_MESH),
        compiler_params=_SC_PARAMS,
        scratch_types=[
            pltpu.VMEM((SLAB,), jnp.int32),
            pltpu.VMEM((SLAB, HID), jnp.float32),
            pltpu.SemaphoreType.DMA,
        ],
    )(x, s_flat)


BM = 512
NPAD = 10240


def _adj_mm_body(a_ref, x_ref, o_ref):
    o_ref[...] = jnp.dot(a_ref[...].astype(jnp.float32), x_ref[...],
                         preferred_element_type=jnp.float32)


def _adj_mm(a8, x):
    n = a8.shape[1]
    out = pl.pallas_call(
        _adj_mm_body,
        grid=(NPAD // BM,),
        in_specs=[pl.BlockSpec((BM, n), lambda i: (i, 0)),
                  pl.BlockSpec((n, HID), lambda i: (0, 0))],
        out_specs=pl.BlockSpec((BM, HID), lambda i: (i, 0)),
        out_shape=jax.ShapeDtypeStruct((NPAD, HID), jnp.float32),
    )(a8, x)
    return out[:n]


def _build_adj(ei, n):
    flat = ei[1].astype(jnp.int32) * n + ei[0].astype(jnp.int32)
    a = jnp.zeros((NPAD * n,), jnp.int32).at[flat].add(1)
    return a.reshape(NPAD, n).astype(jnp.int8)


def _add4_body(a_ref, b_ref, c_ref, d_ref, o_ref):
    o_ref[...] = a_ref[...] + b_ref[...] + c_ref[...] + d_ref[...]


def _add4(a, b, c, d):
    n = a.shape[0]
    blk = 1000
    return pl.pallas_call(
        _add4_body,
        grid=(n // blk,),
        in_specs=[pl.BlockSpec((blk, HID), lambda i: (i, 0))] * 4,
        out_specs=pl.BlockSpec((blk, HID), lambda i: (i, 0)),
        out_shape=jax.ShapeDtypeStruct((n, HID), jnp.float32),
    )(a, b, c, d)


def _bn(x, p):
    mu = x.mean(0)
    var = x.var(0)
    return (x - mu) / jnp.sqrt(var + 1e-5) * p['g'] + p['b']


def _leaky(x):
    return jnp.where(x > 0, x, 0.2 * x)


def _pad_rows(a, rows):
    return jnp.zeros((rows, 16), jnp.float32).at[:a.shape[0], :a.shape[1]].set(a)


def kernel(x_user, x_merchant, x_device, edge_index_user_transacts_merchant, edge_index_merchant_receives_user, edge_index_user_uses_device, edge_index_device_used_by_user, edge_index_user_temporal_user, edge_index_user_similar_user, params):
    e_tm = edge_index_user_transacts_merchant
    e_mu = edge_index_merchant_receives_user
    e_ud = edge_index_user_uses_device
    e_du = edge_index_device_used_by_user
    e_tt = edge_index_user_temporal_user
    e_ss = edge_index_user_similar_user

    tm_s, tm_d = _pad_edges(e_tm, N_MERCH)
    mu_s, mu_d = _pad_edges(e_mu, N_MERCH)
    ud_s, ud_d = _pad_edges(e_ud, N_DEV)
    du_s, du_d = _pad_edges(e_du, N_DEV)
    ss_sf = _pad_flat(e_ss[0], 0)
    ss_d2 = _pad_flat(e_ss[1], N_USER).reshape(-1, 128)
    tt_sf = _pad_flat(e_tt[0], 0)
    tt_df = _pad_flat(e_tt[1], 0)
    tt_d2 = _pad_flat(e_tt[1], N_USER).reshape(-1, 128)
    n_tt = e_tt.shape[1]

    cnt_tm = jnp.maximum(_sc_seg_count(tm_d, nseg=N_MERCH), 1.0)
    cnt_mu = jnp.maximum(_sc_seg_count(mu_d, nseg=N_MERCH), 1.0)
    cnt_ud = jnp.maximum(_sc_seg_count(ud_d, nseg=N_DEV), 1.0)
    cnt_du = jnp.maximum(_sc_seg_count(du_d, nseg=N_DEV), 1.0)
    deg = _sc_seg_count(ss_d2, nseg=N_USER) + 1.0
    dinv = deg ** -0.5

    a_tm = _build_adj(e_tm, N_MERCH)
    a_mu = _build_adj(e_mu, N_MERCH)
    a_ud = _build_adj(e_ud, N_DEV)
    a_du = _build_adj(e_du, N_DEV)

    def sage_small(x_src, x_dst, adj, cnt, p):
        mean = _adj_mm(adj, x_src) / cnt[:, None]
        return mean @ p['Wl'] + p['bl'] + x_dst @ p['Wr']

    def sage_user(x_src, x_dst, adj, cnt, p):
        mean = _adj_mm(adj, x_src) / cnt[:, None]
        agg = jnp.zeros((N_USER, HID), jnp.float32).at[:N_MERCH].set(mean @ p['Wl'])
        return agg + p['bl'] + x_dst @ p['Wr']

    def gcn(x, p):
        hp = dinv[:, None] * (x @ p['W'])
        grows = _sc_gather(hp, ss_sf)
        ssum = _sc_seg_sum_edge(grows, ss_d2)
        return dinv[:, None] * (ssum + hp) + p['b']

    def gat(x, p):
        hsmat = x @ p['Ws']
        vs = jnp.einsum('khj,hj->kh', p['Ws'].reshape(HID, H, HID), p['as'])
        vd = jnp.einsum('khj,hj->kh', p['Wd'].reshape(HID, H, HID), p['ad'])
        asrc = x @ vs
        adst = x @ vd
        g = jnp.maximum(jnp.max(asrc) + jnp.max(adst), 0.0)
        g16 = jnp.full((16,), g, jnp.float32)
        e4 = _sc_gat_edge(_pad_rows(asrc, N_USER + 48),
                          _pad_rows(adst, N_USER + 48), g16, tt_sf, tt_d2)
        den = _sc_seg_sum_edge(e4, tt_d2)[:, :H]
        ex_self = jnp.exp(_leaky(asrc + adst) - g)
        invd = 1.0 / jnp.maximum(den + ex_self, 1e-16)
        msg = _sc_gat_msg(hsmat, e4, _pad_rows(invd, N_USER + 48), tt_sf, tt_d2)
        gout = _sc_seg_sum_edge(msg, tt_d2)
        selfmsg = jnp.einsum('nh,nhk->nk', ex_self * invd,
                             hsmat.reshape(N_USER, H, HID))
        return 0.25 * (gout + selfmsg) + p['b']

    u = x_user @ params['proj_user']['W'] + params['proj_user']['b']
    m = x_merchant @ params['proj_merchant']['W'] + params['proj_merchant']['b']
    d = x_device @ params['proj_device']['W'] + params['proj_device']['b']
    for lp in params['layers']:
        u10 = u[:N_MERCH]
        m2 = sage_small(u10, m, a_tm, cnt_tm, lp['sage_tm'])
        u1 = sage_user(m, u, a_mu, cnt_mu, lp['sage_mu'])
        d2 = sage_small(u10, d, a_ud, cnt_ud, lp['sage_ud'])
        u2 = sage_user(d, u, a_du, cnt_du, lp['sage_du'])
        ug = gat(u, lp['gat'])
        uc = gcn(u, lp['gcn'])
        u = jax.nn.relu(_bn(_add4(u1, u2, ug, uc), lp['bn']['user']))
        m = jax.nn.relu(_bn(m2, lp['bn']['merchant']))
        d = jax.nn.relu(_bn(d2, lp['bn']['device']))
    det = params['det']
    up = jax.nn.relu(u @ det['user']['W1'] + det['user']['b1']) @ det['user']['W2'] + det['user']['b2']
    mp = jax.nn.relu(m @ det['merchant']['W1'] + det['merchant']['b1']) @ det['merchant']['W2'] + det['merchant']['b2']
    gsrc = _sc_gather(u, tt_sf)[:n_tt]
    gdst = _sc_gather(u, tt_df)[:n_tt]
    w1 = det['edge']['W1']
    h = jax.nn.relu(gsrc @ w1[:HID] + gdst @ w1[HID:] + det['edge']['b1'])
    h = jax.nn.relu(h @ det['edge']['W2'] + det['edge']['b2'])
    ep = h @ det['edge']['W3'] + det['edge']['b3']
    return (up, mp, ep)

# --- scband reference (transcript-rebuilt; emitter-appended) ---
"""Pipeline reference for scband-upifraud-gnn-82033875353617 (READ-ONLY COPY).

The authoritative reference and input builder live on the scoring server;
editing this copy changes nothing except your own understanding.
"""

import jax, jax.numpy as jnp
import numpy as np

HID = 64
H = 4
N_USER, N_MERCH, N_DEV = 50000, 10000, 10000
E_TM, E_MU, E_UD, E_DU, E_TT, E_SS = 800000, 800000, 400000, 400000, 200000, 400000


def _w(key, shape, scale=0.05):
    return jax.random.normal(key, shape, dtype=jnp.float32) * scale


def make_params(key):
    it = iter(jax.random.split(key, 64))
    p = {}
    for t in ['user', 'merchant', 'device']:
        p['proj_' + t] = {'W': _w(next(it), (128, HID)), 'b': jnp.zeros((HID,), jnp.float32)}
    layers = []
    for _ in range(3):
        lp = {}
        for name in ['sage_tm', 'sage_mu', 'sage_ud', 'sage_du']:
            lp[name] = {'Wl': _w(next(it), (HID, HID)), 'bl': jnp.zeros((HID,), jnp.float32), 'Wr': _w(next(it), (HID, HID))}
        lp['gat'] = {'Ws': _w(next(it), (HID, H * HID)), 'Wd': _w(next(it), (HID, H * HID)), 'as': _w(next(it), (H, HID)), 'ad': _w(next(it), (H, HID)), 'b': jnp.zeros((HID,), jnp.float32)}
        lp['gcn'] = {'W': _w(next(it), (HID, HID)), 'b': jnp.zeros((HID,), jnp.float32)}
        lp['bn'] = {t: {'g': jnp.ones((HID,), jnp.float32), 'b': jnp.zeros((HID,), jnp.float32)} for t in ['user', 'merchant', 'device']}
        layers.append(lp)
    p['layers'] = layers
    det = {}
    for t in ['user', 'merchant']:
        det[t] = {'W1': _w(next(it), (HID, HID // 2)), 'b1': jnp.zeros((HID // 2,), jnp.float32), 'W2': _w(next(it), (HID // 2, 2)), 'b2': jnp.zeros((2,), jnp.float32)}
    det['edge'] = {'W1': _w(next(it), (2 * HID, HID)), 'b1': jnp.zeros((HID,), jnp.float32), 'W2': _w(next(it), (HID, HID // 2)), 'b2': jnp.zeros((HID // 2,), jnp.float32), 'W3': _w(next(it), (HID // 2, 1)), 'b3': jnp.zeros((1,), jnp.float32)}
    p['det'] = det
    return p


def setup_inputs(seed: int = 0) -> dict:
    key = jax.random.key(seed)
    k = jax.random.split(key, 12)
    return {
        'x_user': jax.random.normal(k[0], (N_USER, 128), dtype=jnp.float32),
        'x_merchant': jax.random.normal(k[1], (N_MERCH, 128), dtype=jnp.float32),
        'x_device': jax.random.normal(k[2], (N_DEV, 128), dtype=jnp.float32),
        'edge_index_user_transacts_merchant': jax.random.randint(k[3], (2, E_TM), 0, N_MERCH),
        'edge_index_merchant_receives_user': jax.random.randint(k[4], (2, E_MU), 0, N_MERCH),
        'edge_index_user_uses_device': jax.random.randint(k[5], (2, E_UD), 0, N_DEV),
        'edge_index_device_used_by_user': jax.random.randint(k[6], (2, E_DU), 0, N_DEV),
        'edge_index_user_temporal_user': jax.random.randint(k[7], (2, E_TT), 0, N_USER),
        'edge_index_user_similar_user': jax.random.randint(k[8], (2, E_SS), 0, N_USER),
        'params': make_params(k[9]),
    }


def _sage(x_src, x_dst, ei, p, n_dst):
    src, dst = ei[0], ei[1]
    s = jax.ops.segment_sum(x_src[src], dst, num_segments=n_dst)
    c = jax.ops.segment_sum(jnp.ones((ei.shape[1],), jnp.float32), dst, num_segments=n_dst)
    mean = s / jnp.maximum(c, 1.0)[:, None]
    return mean @ p['Wl'] + p['bl'] + x_dst @ p['Wr']


def _gat(x, ei, p, n):
    sl = jnp.arange(n, dtype=ei.dtype)
    src = jnp.concatenate([ei[0], sl])
    dst = jnp.concatenate([ei[1], sl])
    hs = (x @ p['Ws']).reshape(n, H, HID)
    hd = (x @ p['Wd']).reshape(n, H, HID)
    a = (hs * p['as'][None, :, :]).sum(-1)[src] + (hd * p['ad'][None, :, :]).sum(-1)[dst]
    a = jax.nn.leaky_relu(a, 0.2)
    amax = jax.ops.segment_max(a, dst, num_segments=n)
    amax = jnp.where(jnp.isfinite(amax), amax, 0.0)
    ex = jnp.exp(a - amax[dst])
    den = jax.ops.segment_sum(ex, dst, num_segments=n)
    coef = ex / jnp.maximum(den[dst], 1e-16)
    out = jax.ops.segment_sum(coef[:, :, None] * hs[src], dst, num_segments=n)
    return out.mean(1) + p['b']


def _gcn(x, ei, p, n):
    sl = jnp.arange(n, dtype=ei.dtype)
    src = jnp.concatenate([ei[0], sl])
    dst = jnp.concatenate([ei[1], sl])
    deg = jax.ops.segment_sum(jnp.ones(dst.shape, jnp.float32), dst, num_segments=n)
    dinv = jnp.where(deg > 0, deg ** -0.5, 0.0)
    norm = dinv[src] * dinv[dst]
    h = x @ p['W']
    out = jax.ops.segment_sum(norm[:, None] * h[src], dst, num_segments=n)
    return out + p['b']


def _bn(x, p):
    mu = x.mean(0)
    var = x.var(0)
    return (x - mu) / jnp.sqrt(var + 1e-5) * p['g'] + p['b']


def _forward(x_user, x_merchant, x_device, params, e_tm, e_mu, e_ud, e_du, e_tt, e_ss):
    u = x_user @ params['proj_user']['W'] + params['proj_user']['b']
    m = x_merchant @ params['proj_merchant']['W'] + params['proj_merchant']['b']
    d = x_device @ params['proj_device']['W'] + params['proj_device']['b']
    for lp in params['layers']:
        m2 = _sage(u, m, e_tm, lp['sage_tm'], N_MERCH)
        u1 = _sage(m, u, e_mu, lp['sage_mu'], N_USER)
        d2 = _sage(u, d, e_ud, lp['sage_ud'], N_DEV)
        u2 = _sage(d, u, e_du, lp['sage_du'], N_USER)
        ug = _gat(u, e_tt, lp['gat'], N_USER)
        uc = _gcn(u, e_ss, lp['gcn'], N_USER)
        u = jax.nn.relu(_bn(u1 + u2 + ug + uc, lp['bn']['user']))
        m = jax.nn.relu(_bn(m2, lp['bn']['merchant']))
        d = jax.nn.relu(_bn(d2, lp['bn']['device']))
    det = params['det']
    up = jax.nn.relu(u @ det['user']['W1'] + det['user']['b1']) @ det['user']['W2'] + det['user']['b2']
    mp = jax.nn.relu(m @ det['merchant']['W1'] + det['merchant']['b1']) @ det['merchant']['W2'] + det['merchant']['b2']
    ee = jnp.concatenate([u[e_tt[0]], u[e_tt[1]]], axis=1)
    h = jax.nn.relu(ee @ det['edge']['W1'] + det['edge']['b1'])
    h = jax.nn.relu(h @ det['edge']['W2'] + det['edge']['b2'])
    ep = h @ det['edge']['W3'] + det['edge']['b3']
    return (up, mp, ep)


def reference(x_user, x_merchant, x_device, edge_index_user_transacts_merchant, edge_index_merchant_receives_user, edge_index_user_uses_device, edge_index_device_used_by_user, edge_index_user_temporal_user, edge_index_user_similar_user, params):
    return _forward(x_user, x_merchant, x_device, params, edge_index_user_transacts_merchant, edge_index_merchant_receives_user, edge_index_user_uses_device, edge_index_device_used_by_user, edge_index_user_temporal_user, edge_index_user_similar_user)

if __name__ == "__main__":
    import jax
    _d = setup_inputs()
    print(jax.jit(kernel)(*tuple(_d.values())))

</pallas_src>

<mosaic_0001>
#map = affine_map<(d0, d1) -> (0, 0)>
module attributes {stable_mosaic.version = 14 : i64} {
  func.func @body(%arg0: i32, %arg1: i32, %arg2: memref<6400x128xi32, #tpu.memory_space<hbm>>, %arg3: memref<20480x16xf32, #tpu.memory_space<hbm>>, %arg4: memref<10240x16xf32, #tpu.memory_space<vmem_shared>>, %arg5: memref<8x128xi32, #tpu.memory_space<vmem>>, %arg6: memref<128x16xf32, #tpu.memory_space<vmem>>, %arg7: memref<!tpu.dma_semaphore, #tpu.memory_space<semaphore_mem>>) attributes {dimension_semantics = [#tpu.dimension_semantics<core_parallel>, #tpu.dimension_semantics<subcore_parallel>], iteration_bounds = array<i64: 2, 16>, scalar_prefetch = 0 : i64, scratch_operands = 4 : i64, tpu.core_type = #tpu.core_type<sc_vector_subcore>, window_params = [{transform_indices = #map}, {transform_indices = #map}]} {
    %mul3A = arith.constant 2 : i32
    %mul3A_0 = arith.muli %arg1, %mul3A : i32
    %add3A = arith.addi %mul3A_0, %arg0 : i32
    %scan3A = arith.constant 0 : i32
    %scan3A_1 = arith.constant 0 : i32
    %scan3A_2 = arith.constant 128 : i32
    %scan3A_3 = arith.addi %scan3A_1, %scan3A_2 : i32
    %scan3A_4 = arith.constant 1 : i32
    %scan3A_5 = scf.for %scan3A_36 = %scan3A_1 to %scan3A_3 step %scan3A_4 iter_args(%scan3A_37 = %scan3A) -> (i32)  : i32 {
      %broadcast_in_dim3A = arith.constant 0.000000e+00 : f32
      %broadcast_in_dim3A_38 = vector.broadcast %broadcast_in_dim3A : f32 to vector<16xf32>
      %swap3A = arith.index_cast %scan3A_36 : i32 to index
      %swap3A_39 = arith.constant 0 : index
      %swap3A_40 = tpu.vector_load %arg6[%swap3A, %swap3A_39] {strides = array<i32>} : memref<128x16xf32, #tpu.memory_space<vmem>>, vector<1x16xf32>,
      %swap3A_41 = vector.shape_cast %swap3A_40 : vector<1x16xf32> to vector<16xf32>
      %swap3A_42 = vector.shape_cast %broadcast_in_dim3A_38 : vector<16xf32> to vector<1x16xf32>
      tpu.vector_store %arg6[%swap3A, %swap3A_39], %swap3A_42 {strides = array<i32>} : memref<128x16xf32, #tpu.memory_space<vmem>>, vector<1x16xf32>,
      %scan3A_43 = arith.constant 0 : i32
      scf.yield %scan3A_43 : i32
    }
    %scan3A_6 = arith.constant 128 : i32
    %scan3A_7 = arith.constant 0 : i32
    %scan3A_8 = arith.constant 0 : i32
    %scan3A_9 = arith.constant 5 : i32
    %scan3A_10 = arith.addi %scan3A_8, %scan3A_9 : i32
    %scan3A_11 = arith.constant 1 : i32
    %scan3A_12 = scf.for %scan3A_36 = %scan3A_8 to %scan3A_10 step %scan3A_11 iter_args(%scan3A_37 = %scan3A_7) -> (i32)  : i32 {
      %mul3A_38 = arith.constant 640 : i32
      %mul3A_39 = arith.muli %arg1, %mul3A_38 : i32
      %mul3A_40 = arith.constant 128 : i32
      %mul3A_41 = arith.muli %scan3A_36, %mul3A_40 : i32
      %add3A_42 = arith.addi %mul3A_39, %mul3A_41 : i32
      "tpu.region"() ({
        %run_scoped3A = tpu.sem_alloc : memref<!tpu.dma_semaphore, #tpu.memory_space<semaphore_mem>>
        %dma_start3A = arith.constant 0 : i32
        %dma_start3A_44 = tpu.memref_slice %arg4[%add3A_42, %dma_start3A] : memref<10240x16xf32, #tpu.memory_space<vmem_shared>> -> memref<128x16xf32, #tpu.memory_space<vmem_shared>>
        %dma_start3A_45 = arith.constant 0 : i32
        %dma_start3A_46 = tpu.memref_slice %arg4[%add3A_42, %dma_start3A_45] : memref<10240x16xf32, #tpu.memory_space<vmem_shared>> -> memref<128x16xf32, #tpu.memory_space<vmem_shared>>
        tpu.enqueue_dma source(%arg6 : memref<128x16xf32, #tpu.memory_space<vmem>>) target(%dma_start3A_46 : memref<128x16xf32, #tpu.memory_space<vmem_shared>>) target_semaphore(%run_scoped3A : memref<!tpu.dma_semaphore, #tpu.memory_space<semaphore_mem>>)
        %dma_wait3A = arith.constant 0 : i32
        %dma_wait3A_47 = tpu.memref_slice %arg4[%add3A_42, %dma_wait3A] : memref<10240x16xf32, #tpu.memory_space<vmem_shared>> -> memref<128x16xf32, #tpu.memory_space<vmem_shared>>
        %dma_wait3A_48 = arith.constant 0 : i32
        %dma_wait3A_49 = tpu.memref_slice %arg4[%add3A_42, %dma_wait3A_48] : memref<10240x16xf32, #tpu.memory_space<vmem_shared>> -> memref<128x16xf32, #tpu.memory_space<vmem_shared>>
        tpu.wait_dma2 semaphore(%run_scoped3A : memref<!tpu.dma_semaphore, #tpu.memory_space<semaphore_mem>>) src(%arg6 : memref<128x16xf32, #tpu.memory_space<vmem>>) dst(%dma_wait3A_49 : memref<128x16xf32, #tpu.memory_space<vmem_shared>>)
        tpu.yield
      }) : () -> ()
      %scan3A_43 = arith.constant 0 : i32
      scf.yield %scan3A_43 : i32
    }
    %scan3A_13 = arith.constant 5 : i32
    %scan3A_14 = arith.constant 0 : i32
    %scan3A_15 = arith.constant 0 : i32
    %scan3A_16 = arith.constant 128 : i32
    %scan3A_17 = arith.addi %scan3A_15, %scan3A_16 : i32
    %scan3A_18 = arith.constant 1 : i32
    %scan3A_19 = scf.for %scan3A_36 = %scan3A_15 to %scan3A_17 step %scan3A_18 iter_args(%scan3A_37 = %scan3A_14) -> (i32)  : i32 {
      %broadcast_in_dim3A = arith.constant 1.000000e+00 : f32
      %broadcast_in_dim3A_38 = vector.broadcast %broadcast_in_dim3A : f32 to vector<16xf32>
      %swap3A = arith.index_cast %scan3A_36 : i32 to index
      %swap3A_39 = arith.constant 0 : index
      %swap3A_40 = tpu.vector_load %arg6[%swap3A, %swap3A_39] {strides = array<i32>} : memref<128x16xf32, #tpu.memory_space<vmem>>, vector<1x16xf32>,
      %swap3A_41 = vector.shape_cast %swap3A_40 : vector<1x16xf32> to vector<16xf32>
      %swap3A_42 = vector.shape_cast %broadcast_in_dim3A_38 : vector<16xf32> to vector<1x16xf32>
      tpu.vector_store %arg6[%swap3A, %swap3A_39], %swap3A_42 {strides = array<i32>} : memref<128x16xf32, #tpu.memory_space<vmem>>, vector<1x16xf32>,
      %scan3A_43 = arith.constant 0 : i32
      scf.yield %scan3A_43 : i32
    }
    %scan3A_20 = arith.constant 128 : i32
    %barrier3A = arith.constant 0 : index
    tpu.barrier barrier_id(%barrier3A)
    %scan3A_21 = arith.constant 0 : i32
    %scan3A_22 = arith.constant 0 : i32
    %scan3A_23 = arith.constant 25 : i32
    %scan3A_24 = arith.addi %scan3A_22, %scan3A_23 : i32
    %scan3A_25 = arith.constant 1 : i32
    %scan3A_26 = scf.for %scan3A_36 = %scan3A_22 to %scan3A_24 step %scan3A_25 iter_args(%scan3A_37 = %scan3A_21) -> (i32)  : i32 {
      %mul3A_38 = arith.constant 200 : i32
      %mul3A_39 = arith.muli %add3A, %mul3A_38 : i32
      %mul3A_40 = arith.constant 8 : i32
      %mul3A_41 = arith.muli %scan3A_36, %mul3A_40 : i32
      %add3A_42 = arith.addi %mul3A_39, %mul3A_41 : i32
      "tpu.region"() ({
        %run_scoped3A = tpu.sem_alloc : memref<!tpu.dma_semaphore, #tpu.memory_space<semaphore_mem>>
        %dma_start3A_154 = arith.constant 0 : i32
        %dma_start3A_155 = tpu.memref_slice %arg2[%add3A_42, %dma_start3A_154] : memref<6400x128xi32, #tpu.memory_space<hbm>> -> memref<8x128xi32, #tpu.memory_space<hbm>>
        %dma_start3A_156 = arith.constant 0 : i32
        %dma_start3A_157 = tpu.memref_slice %arg2[%add3A_42, %dma_start3A_156] : memref<6400x128xi32, #tpu.memory_space<hbm>> -> memref<8x128xi32, #tpu.memory_space<hbm>>
        tpu.enqueue_dma source(%dma_start3A_157 : memref<8x128xi32, #tpu.memory_space<hbm>>) target(%arg5 : memref<8x128xi32, #tpu.memory_space<vmem>>) target_semaphore(%run_scoped3A : memref<!tpu.dma_semaphore, #tpu.memory_space<semaphore_mem>>)
        %dma_wait3A_158 = arith.constant 0 : i32
        %dma_wait3A_159 = tpu.memref_slice %arg2[%add3A_42, %dma_wait3A_158] : memref<6400x128xi32, #tpu.memory_space<hbm>> -> memref<8x128xi32, #tpu.memory_space<hbm>>
        %dma_wait3A_160 = arith.constant 0 : i32
        %dma_wait3A_161 = tpu.memref_slice %arg2[%add3A_42, %dma_wait3A_160] : memref<6400x128xi32, #tpu.memory_space<hbm>> -> memref<8x128xi32, #tpu.memory_space<hbm>>
        tpu.wait_dma2 semaphore(%run_scoped3A : memref<!tpu.dma_semaphore, #tpu.memory_space<semaphore_mem>>) src(%dma_wait3A_161 : memref<8x128xi32, #tpu.memory_space<hbm>>) dst(%arg5 : memref<8x128xi32, #tpu.memory_space<vmem>>)
        tpu.yield
      }) : () -> ()
      %dma_start3A = arith.constant 0 : i32
      %dma_start3A_43 = arith.constant 0 : i32
      %dma_start3A_44 = tpu.memref_slice %arg5[%dma_start3A, %dma_start3A_43] : memref<8x128xi32, #tpu.memory_space<vmem>> -> memref<1x128xi32, #tpu.memory_space<vmem>>
      %dma_start3A_45 = tpu.memref_squeeze %dma_start3A_44 : memref<1x128xi32, #tpu.memory_space<vmem>> -> memref<128xi32, #tpu.memory_space<vmem>>
      %dma_start3A_46 = arith.constant 0 : i32
      %dma_start3A_47 = arith.constant 0 : i32
      %dma_start3A_48 = tpu.memref_slice %arg4[%dma_start3A_46, %dma_start3A_47] : memref<10240x16xf32, #tpu.memory_space<vmem_shared>> -> memref<10240x16xf32, #tpu.memory_space<vmem_shared>>
      tpu.enqueue_indirect_dma source(%arg6 : memref<128x16xf32, #tpu.memory_space<vmem>>) target(%dma_start3A_48 : memref<10240x16xf32, #tpu.memory_space<vmem_shared>>) offsets(%dma_start3A_45 : memref<128xi32, #tpu.memory_space<vmem>>) semaphore(%arg7 : memref<!tpu.dma_semaphore, #tpu.memory_space<semaphore_mem>>) {add = true}
      %dma_start3A_49 = arith.constant 1 : i32
      %dma_start3A_50 = arith.constant 0 : i32
      %dma_start3A_51 = tpu.memref_slice %arg5[%dma_start3A_49, %dma_start3A_50] : memref<8x128xi32, #tpu.memory_space<vmem>> -> memref<1x128xi32, #tpu.memory_space<vmem>>
      %dma_start3A_52 = tpu.memref_squeeze %dma_start3A_51 : memref<1x128xi32, #tpu.memory_space<vmem>> -> memref<128xi32, #tpu.memory_space<vmem>>
      %dma_start3A_53 = arith.constant 0 : i32
      %dma_start3A_54 = arith.constant 0 : i32
      %dma_start3A_55 = tpu.memref_slice %arg4[%dma_start3A_53, %dma_start3A_54] : memref<10240x16xf32, #tpu.memory_space<vmem_shared>> -> memref<10240x16xf32, #tpu.memory_space<vmem_shared>>
      tpu.enqueue_indirect_dma source(%arg6 : memref<128x16xf32, #tpu.memory_space<vmem>>) target(%dma_start3A_55 : memref<10240x16xf32, #tpu.memory_space<vmem_shared>>) offsets(%dma_start3A_52 : memref<128xi32, #tpu.memory_space<vmem>>) semaphore(%arg7 : memref<!tpu.dma_semaphore, #tpu.memory_space<semaphore_mem>>) {add = true}
      %dma_start3A_56 = arith.constant 2 : i32
      %dma_start3A_57 = arith.constant 0 : i32
      %dma_start3A_58 = tpu.memref_slice %arg5[%dma_start3A_56, %dma_start3A_57] : memref<8x128xi32, #tpu.memory_space<vmem>> -> memref<1x128xi32, #tpu.memory_space<vmem>>
      %dma_start3A_59 = tpu.memref_squeeze %dma_start3A_58 : memref<1x128xi32, #tpu.memory_space<vmem>> -> memref<128xi32, #tpu.memory_space<vmem>>
      %dma_start3A_60 = arith.constant 0 : i32
      %dma_start3A_61 = arith.constant 0 : i32
      %dma_start3A_62 = tpu.memref_slice %arg4[%dma_start3A_60, %dma_start3A_61] : memref<10240x16xf32, #tpu.memory_space<vmem_shared>> -> memref<10240x16xf32, #tpu.memory_space<vmem_shared>>
      tpu.enqueue_indirect_dma source(%arg6 : memref<128x16xf32, #tpu.memory_space<vmem>>) target(%dma_start3A_62 : memref<10240x16xf32, #tpu.memory_space<vmem_shared>>) offsets(%dma_start3A_59 : memref<128xi32, #tpu.memory_space<vmem>>) semaphore(%arg7 : memref<!tpu.dma_semaphore, #tpu.memory_space<semaphore_mem>>) {add = true}
      %dma_start3A_63 = arith.constant 3 : i32
      %dma_start3A_64 = arith.constant 0 : i32
      %dma_start3A_65 = tpu.memref_slice %arg5[%dma_start3A_63, %dma_start3A_64] : memref<8x128xi32, #tpu.memory_space<vmem>> -> memref<1x128xi32, #tpu.memory_space<vmem>>
      %dma_start3A_66 = tpu.memref_squeeze %dma_start3A_65 : memref<1x128xi32, #tpu.memory_space<vmem>> -> memref<128xi32, #tpu.memory_space<vmem>>
      %dma_start3A_67 = arith.constant 0 : i32
      %dma_start3A_68 = arith.constant 0 : i32
      %dma_start3A_69 = tpu.memref_slice %arg4[%dma_start3A_67, %dma_start3A_68] : memref<10240x16xf32, #tpu.memory_space<vmem_shared>> -> memref<10240x16xf32, #tpu.memory_space<vmem_shared>>
      tpu.enqueue_indirect_dma source(%arg6 : memref<128x16xf32, #tpu.memory_space<vmem>>) target(%dma_start3A_69 : memref<10240x16xf32, #tpu.memory_space<vmem_shared>>) offsets(%dma_start3A_66 : memref<128xi32, #tpu.memory_space<vmem>>) semaphore(%arg7 : memref<!tpu.dma_semaphore, #tpu.memory_space<semaphore_mem>>) {add = true}
      %dma_start3A_70 = arith.constant 4 : i32
      %dma_start3A_71 = arith.constant 0 : i32
      %dma_start3A_72 = tpu.memref_slice %arg5[%dma_start3A_70, %dma_start3A_71] : memref<8x128xi32, #tpu.memory_space<vmem>> -> memref<1x128xi32, #tpu.memory_space<vmem>>
      %dma_start3A_73 = tpu.memref_squeeze %dma_start3A_72 : memref<1x128xi32, #tpu.memory_space<vmem>> -> memref<128xi32, #tpu.memory_space<vmem>>
      %dma_start3A_74 = arith.constant 0 : i32
      %dma_start3A_75 = arith.constant 0 : i32
      %dma_start3A_76 = tpu.memref_slice %arg4[%dma_start3A_74, %dma_start3A_75] : memref<10240x16xf32, #tpu.memory_space<vmem_shared>> -> memref<10240x16xf32, #tpu.memory_space<vmem_shared>>
      tpu.enqueue_indirect_dma source(%arg6 : memref<128x16xf32, #tpu.memory_space<vmem>>) target(%dma_start3A_76 : memref<10240x16xf32, #tpu.memory_space<vmem_shared>>) offsets(%dma_start3A_73 : memref<128xi32, #tpu.memory_space<vmem>>) semaphore(%arg7 : memref<!tpu.dma_semaphore, #tpu.memory_space<semaphore_mem>>) {add = true}
      %dma_start3A_77 = arith.constant 5 : i32
      %dma_start3A_78 = arith.constant 0 : i32
      %dma_start3A_79 = tpu.memref_slice %arg5[%dma_start3A_77, %dma_start3A_78] : memref<8x128xi32, #tpu.memory_space<vmem>> -> memref<1x128xi32, #tpu.memory_space<vmem>>
      %dma_start3A_80 = tpu.memref_squeeze %dma_start3A_79 : memref<1x128xi32, #tpu.memory_space<vmem>> -> memref<128xi32, #tpu.memory_space<vmem>>
      %dma_start3A_81 = arith.constant 0 : i32
      %dma_start3A_82 = arith.constant 0 : i32
      %dma_start3A_83 = tpu.memref_slice %arg4[%dma_start3A_81, %dma_start3A_82] : memref<10240x16xf32, #tpu.memory_space<vmem_shared>> -> memref<10240x16xf32, #tpu.memory_space<vmem_shared>>
      tpu.enqueue_indirect_dma source(%arg6 : memref<128x16xf32, #tpu.memory_space<vmem>>) target(%dma_start3A_83 : memref<10240x16xf32, #tpu.memory_space<vmem_shared>>) offsets(%dma_start3A_80 : memref<128xi32, #tpu.memory_space<vmem>>) semaphore(%arg7 : memref<!tpu.dma_semaphore, #tpu.memory_space<semaphore_mem>>) {add = true}
      %dma_start3A_84 = arith.constant 6 : i32
      %dma_start3A_85 = arith.constant 0 : i32
      %dma_start3A_86 = tpu.memref_slice %arg5[%dma_start3A_84, %dma_start3A_85] : memref<8x128xi32, #tpu.memory_space<vmem>> -> memref<1x128xi32, #tpu.memory_space<vmem>>
      %dma_start3A_87 = tpu.memref_squeeze %dma_start3A_86 : memref<1x128xi32, #tpu.memory_space<vmem>> -> memref<128xi32, #tpu.memory_space<vmem>>
      %dma_start3A_88 = arith.constant 0 : i32
      %dma_start3A_89 = arith.constant 0 : i32
      %dma_start3A_90 = tpu.memref_slice %arg4[%dma_start3A_88, %dma_start3A_89] : memref<10240x16xf32, #tpu.memory_space<vmem_shared>> -> memref<10240x16xf32, #tpu.memory_space<vmem_shared>>
      tpu.enqueue_indirect_dma source(%arg6 : memref<128x16xf32, #tpu.memory_space<vmem>>) target(%dma_start3A_90 : memref<10240x16xf32, #tpu.memory_space<vmem_shared>>) offsets(%dma_start3A_87 : memref<128xi32, #tpu.memory_space<vmem>>) semaphore(%arg7 : memref<!tpu.dma_semaphore, #tpu.memory_space<semaphore_mem>>) {add = true}
      %dma_start3A_91 = arith.constant 7 : i32
      %dma_start3A_92 = arith.constant 0 : i32
      %dma_start3A_93 = tpu.memref_slice %arg5[%dma_start3A_91, %dma_start3A_92] : memref<8x128xi32, #tpu.memory_space<vmem>> -> memref<1x128xi32, #tpu.memory_space<vmem>>
      %dma_start3A_94 = tpu.memref_squeeze %dma_start3A_93 : memref<1x128xi32, #tpu.memory_space<vmem>> -> memref<128xi32, #tpu.memory_space<vmem>>
      %dma_start3A_95 = arith.constant 0 : i32
      %dma_start3A_96 = arith.constant 0 : i32
      %dma_start3A_97 = tpu.memref_slice %arg4[%dma_start3A_95, %dma_start3A_96] : memref<10240x16xf32, #tpu.memory_space<vmem_shared>> -> memref<10240x16xf32, #tpu.memory_space<vmem_shared>>
      tpu.enqueue_indirect_dma source(%arg6 : memref<128x16xf32, #tpu.memory_space<vmem>>) target(%dma_start3A_97 : memref<10240x16xf32, #tpu.memory_space<vmem_shared>>) offsets(%dma_start3A_94 : memref<128xi32, #tpu.memory_space<vmem>>) semaphore(%arg7 : memref<!tpu.dma_semaphore, #tpu.memory_space<semaphore_mem>>) {add = true}
      %dma_wait3A = arith.constant 0 : i32
      %dma_wait3A_98 = arith.constant 0 : i32
      %dma_wait3A_99 = tpu.memref_slice %arg5[%dma_wait3A, %dma_wait3A_98] : memref<8x128xi32, #tpu.memory_space<vmem>> -> memref<1x128xi32, #tpu.memory_space<vmem>>
      %dma_wait3A_100 = tpu.memref_squeeze %dma_wait3A_99 : memref<1x128xi32, #tpu.memory_space<vmem>> -> memref<128xi32, #tpu.memory_space<vmem>>
      %dma_wait3A_101 = arith.constant 0 : i32
      %dma_wait3A_102 = arith.constant 0 : i32
      %dma_wait3A_103 = tpu.memref_slice %arg4[%dma_wait3A_101, %dma_wait3A_102] : memref<10240x16xf32, #tpu.memory_space<vmem_shared>> -> memref<10240x16xf32, #tpu.memory_space<vmem_shared>>
      tpu.wait_indirect_dma semaphore(%arg7 : memref<!tpu.dma_semaphore, #tpu.memory_space<semaphore_mem>>) src(%arg6 : memref<128x16xf32, #tpu.memory_space<vmem>>) dst(%dma_wait3A_103 : memref<10240x16xf32, #tpu.memory_space<vmem_shared>>)
      %dma_wait3A_104 = arith.constant 1 : i32
      %dma_wait3A_105 = arith.constant 0 : i32
      %dma_wait3A_106 = tpu.memref_slice %arg5[%dma_wait3A_104, %dma_wait3A_105] : memref<8x128xi32, #tpu.memory_space<vmem>> -> memref<1x128xi32, #tpu.memory_space<vmem>>
      %dma_wait3A_107 = tpu.memref_squeeze %dma_wait3A_106 : memref<1x128xi32, #tpu.memory_space<vmem>> -> memref<128xi32, #tpu.memory_space<vmem>>
      %dma_wait3A_108 = arith.constant 0 : i32
      %dma_wait3A_109 = arith.constant 0 : i32
      %dma_wait3A_110 = tpu.memref_slice %arg4[%dma_wait3A_108, %dma_wait3A_109] : memref<10240x16xf32, #tpu.memory_space<vmem_shared>> -> memref<10240x16xf32, #tpu.memory_space<vmem_shared>>
      tpu.wait_indirect_dma semaphore(%arg7 : memref<!tpu.dma_semaphore, #tpu.memory_space<semaphore_mem>>) src(%arg6 : memref<128x16xf32, #tpu.memory_space<vmem>>) dst(%dma_wait3A_110 : memref<10240x16xf32, #tpu.memory_space<vmem_shared>>)
      %dma_wait3A_111 = arith.constant 2 : i32
      %dma_wait3A_112 = arith.constant 0 : i32
      %dma_wait3A_113 = tpu.memref_slice %arg5[%dma_wait3A_111, %dma_wait3A_112] : memref<8x128xi32, #tpu.memory_space<vmem>> -> memref<1x128xi32, #tpu.memory_space<vmem>>
      %dma_wait3A_114 = tpu.memref_squeeze %dma_wait3A_113 : memref<1x128xi32, #tpu.memory_space<vmem>> -> memref<128xi32, #tpu.memory_space<vmem>>
      %dma_wait3A_115 = arith.constant 0 : i32
      %dma_wait3A_116 = arith.constant 0 : i32
      %dma_wait3A_117 = tpu.memref_slice %arg4[%dma_wait3A_115, %dma_wait3A_116] : memref<10240x16xf32, #tpu.memory_space<vmem_shared>> -> memref<10240x16xf32, #tpu.memory_space<vmem_shared>>
      tpu.wait_indirect_dma semaphore(%arg7 : memref<!tpu.dma_semaphore, #tpu.memory_space<semaphore_mem>>) src(%arg6 : memref<128x16xf32, #tpu.memory_space<vmem>>) dst(%dma_wait3A_117 : memref<10240x16xf32, #tpu.memory_space<vmem_shared>>)
      %dma_wait3A_118 = arith.constant 3 : i32
      %dma_wait3A_119 = arith.constant 0 : i32
      %dma_wait3A_120 = tpu.memref_slice %arg5[%dma_wait3A_118, %dma_wait3A_119] : memref<8x128xi32, #tpu.memory_space<vmem>> -> memref<1x128xi32, #tpu.memory_space<vmem>>
      %dma_wait3A_121 = tpu.memref_squeeze %dma_wait3A_120 : memref<1x128xi32, #tpu.memory_space<vmem>> -> memref<128xi32, #tpu.memory_space<vmem>>
      %dma_wait3A_122 = arith.constant 0 : i32
      %dma_wait3A_123 = arith.constant 0 : i32
      %dma_wait3A_124 = tpu.memref_slice %arg4[%dma_wait3A_122, %dma_wait3A_123] : memref<10240x16xf32, #tpu.memory_space<vmem_shared>> -> memref<10240x16xf32, #tpu.memory_space<vmem_shared>>
      tpu.wait_indirect_dma semaphore(%arg7 : memref<!tpu.dma_semaphore, #tpu.memory_space<semaphore_mem>>) src(%arg6 : memref<128x16xf32, #tpu.memory_space<vmem>>) dst(%dma_wait3A_124 : memref<10240x16xf32, #tpu.memory_space<vmem_shared>>)
      %dma_wait3A_125 = arith.constant 4 : i32
      %dma_wait3A_126 = arith.constant 0 : i32
      %dma_wait3A_127 = tpu.memref_slice %arg5[%dma_wait3A_125, %dma_wait3A_126] : memref<8x128xi32, #tpu.memory_space<vmem>> -> memref<1x128xi32, #tpu.memory_space<vmem>>
      %dma_wait3A_128 = tpu.memref_squeeze %dma_wait3A_127 : memref<1x128xi32, #tpu.memory_space<vmem>> -> memref<128xi32, #tpu.memory_space<vmem>>
      %dma_wait3A_129 = arith.constant 0 : i32
      %dma_wait3A_130 = arith.constant 0 : i32
      %dma_wait3A_131 = tpu.memref_slice %arg4[%dma_wait3A_129, %dma_wait3A_130] : memref<10240x16xf32, #tpu.memory_space<vmem_shared>> -> memref<10240x16xf32, #tpu.memory_space<vmem_shared>>
      tpu.wait_indirect_dma semaphore(%arg7 : memref<!tpu.dma_semaphore, #tpu.memory_space<semaphore_mem>>) src(%arg6 : memref<128x16xf32, #tpu.memory_space<vmem>>) dst(%dma_wait3A_131 : memref<10240x16xf32, #tpu.memory_space<vmem_shared>>)
      %dma_wait3A_132 = arith.constant 5 : i32
      %dma_wait3A_133 = arith.constant 0 : i32
      %dma_wait3A_134 = tpu.memref_slice %arg5[%dma_wait3A_132, %dma_wait3A_133] : memref<8x128xi32, #tpu.memory_space<vmem>> -> memref<1x128xi32, #tpu.memory_space<vmem>>
      %dma_wait3A_135 = tpu.memref_squeeze %dma_wait3A_134 : memref<1x128xi32, #tpu.memory_space<vmem>> -> memref<128xi32, #tpu.memory_space<vmem>>
      %dma_wait3A_136 = arith.constant 0 : i32
      %dma_wait3A_137 = arith.constant 0 : i32
      %dma_wait3A_138 = tpu.memref_slice %arg4[%dma_wait3A_136, %dma_wait3A_137] : memref<10240x16xf32, #tpu.memory_space<vmem_shared>> -> memref<10240x16xf32, #tpu.memory_space<vmem_shared>>
      tpu.wait_indirect_dma semaphore(%arg7 : memref<!tpu.dma_semaphore, #tpu.memory_space<semaphore_mem>>) src(%arg6 : memref<128x16xf32, #tpu.memory_space<vmem>>) dst(%dma_wait3A_138 : memref<10240x16xf32, #tpu.memory_space<vmem_shared>>)
      %dma_wait3A_139 = arith.constant 6 : i32
      %dma_wait3A_140 = arith.constant 0 : i32
      %dma_wait3A_141 = tpu.memref_slice %arg5[%dma_wait3A_139, %dma_wait3A_140] : memref<8x128xi32, #tpu.memory_space<vmem>> -> memref<1x128xi32, #tpu.memory_space<vmem>>
      %dma_wait3A_142 = tpu.memref_squeeze %dma_wait3A_141 : memref<1x128xi32, #tpu.memory_space<vmem>> -> memref<128xi32, #tpu.memory_space<vmem>>
      %dma_wait3A_143 = arith.constant 0 : i32
      %dma_wait3A_144 = arith.constant 0 : i32
      %dma_wait3A_145 = tpu.memref_slice %arg4[%dma_wait3A_143, %dma_wait3A_144] : memref<10240x16xf32, #tpu.memory_space<vmem_shared>> -> memref<10240x16xf32, #tpu.memory_space<vmem_shared>>
      tpu.wait_indirect_dma semaphore(%arg7 : memref<!tpu.dma_semaphore, #tpu.memory_space<semaphore_mem>>) src(%arg6 : memref<128x16xf32, #tpu.memory_space<vmem>>) dst(%dma_wait3A_145 : memref<10240x16xf32, #tpu.memory_space<vmem_shared>>)
      %dma_wait3A_146 = arith.constant 7 : i32
      %dma_wait3A_147 = arith.constant 0 : i32
      %dma_wait3A_148 = tpu.memref_slice %arg5[%dma_wait3A_146, %dma_wait3A_147] : memref<8x128xi32, #tpu.memory_space<vmem>> -> memref<1x128xi32, #tpu.memory_space<vmem>>
      %dma_wait3A_149 = tpu.memref_squeeze %dma_wait3A_148 : memref<1x128xi32, #tpu.memory_space<vmem>> -> memref<128xi32, #tpu.memory_space<vmem>>
      %dma_wait3A_150 = arith.constant 0 : i32
      %dma_wait3A_151 = arith.constant 0 : i32
      %dma_wait3A_152 = tpu.memref_slice %arg4[%dma_wait3A_150, %dma_wait3A_151] : memref<10240x16xf32, #tpu.memory_space<vmem_shared>> -> memref<10240x16xf32, #tpu.memory_space<vmem_shared>>
      tpu.wait_indirect_dma semaphore(%arg7 : memref<!tpu.dma_semaphore, #tpu.memory_space<semaphore_mem>>) src(%arg6 : memref<128x16xf32, #tpu.memory_space<vmem>>) dst(%dma_wait3A_152 : memref<10240x16xf32, #tpu.memory_space<vmem_shared>>)
      %scan3A_153 = arith.constant 0 : i32
      scf.yield %scan3A_153 : i32
    }
    %scan3A_27 = arith.constant 25 : i32
    %barrier3A_28 = arith.constant 0 : index
    tpu.barrier barrier_id(%barrier3A_28)
    %scan3A_29 = arith.constant 0 : i32
    %scan3A_30 = arith.constant 0 : i32
    %scan3A_31 = arith.constant 5 : i32
    %scan3A_32 = arith.addi %scan3A_30, %scan3A_31 : i32
    %scan3A_33 = arith.constant 1 : i32
    %scan3A_34 = scf.for %scan3A_36 = %scan3A_30 to %scan3A_32 step %scan3A_33 iter_args(%scan3A_37 = %scan3A_29) -> (i32)  : i32 {
      %mul3A_38 = arith.constant 640 : i32
      %mul3A_39 = arith.muli %arg1, %mul3A_38 : i32
      %mul3A_40 = arith.constant 128 : i32
      %mul3A_41 = arith.muli %scan3A_36, %mul3A_40 : i32
      %add3A_42 = arith.addi %mul3A_39, %mul3A_41 : i32
      %mul3A_43 = arith.constant 10240 : i32
      %mul3A_44 = arith.muli %arg0, %mul3A_43 : i32
      %add3A_45 = arith.addi %mul3A_44, %add3A_42 : i32
      "tpu.region"() ({
        %run_scoped3A = tpu.sem_alloc : memref<!tpu.dma_semaphore, #tpu.memory_space<semaphore_mem>>
        %dma_start3A = arith.constant 0 : i32
        %dma_start3A_47 = tpu.memref_slice %arg3[%add3A_45, %dma_start3A] : memref<20480x16xf32, #tpu.memory_space<hbm>> -> memref<128x16xf32, #tpu.memory_space<hbm>>
        %dma_start3A_48 = arith.constant 0 : i32
        %dma_start3A_49 = tpu.memref_slice %arg4[%add3A_42, %dma_start3A_48] : memref<10240x16xf32, #tpu.memory_space<vmem_shared>> -> memref<128x16xf32, #tpu.memory_space<vmem_shared>>
        tpu.enqueue_dma source(%dma_start3A_49 : memref<128x16xf32, #tpu.memory_space<vmem_shared>>) target(%dma_start3A_47 : memref<128x16xf32, #tpu.memory_space<hbm>>) target_semaphore(%run_scoped3A : memref<!tpu.dma_semaphore, #tpu.memory_space<semaphore_mem>>)
        %dma_wait3A = arith.constant 0 : i32
        %dma_wait3A_50 = tpu.memref_slice %arg3[%add3A_45, %dma_wait3A] : memref<20480x16xf32, #tpu.memory_space<hbm>> -> memref<128x16xf32, #tpu.memory_space<hbm>>
        %dma_wait3A_51 = arith.constant 0 : i32
        %dma_wait3A_52 = tpu.memref_slice %arg4[%add3A_42, %dma_wait3A_51] : memref<10240x16xf32, #tpu.memory_space<vmem_shared>> -> memref<128x16xf32, #tpu.memory_space<vmem_shared>>
        tpu.wait_dma2 semaphore(%run_scoped3A : memref<!tpu.dma_semaphore, #tpu.memory_space<semaphore_mem>>) src(%dma_wait3A_52 : memref<128x16xf32, #tpu.memory_space<vmem_shared>>) dst(%dma_wait3A_50 : memref<128x16xf32, #tpu.memory_space<hbm>>)
        tpu.yield
      }) : () -> ()
      %scan3A_46 = arith.constant 0 : i32
      scf.yield %scan3A_46 : i32
    }
    %scan3A_35 = arith.constant 5 : i32
    return
  }
}

</mosaic_0001>

<sc_bundles>
// kernel: _sc_seg_count.3.cloned.1.call-start
scs
__scs_entry_jumppad:
0x0: {  	(pc) =	sbr.rel $0x88, $3  }
0x1: {  	(tag) =	ssettag $0x0;
	lr =	simm.s32 $0x1  }
0x2: {  	[smem:$0x3FA0] =	sst lr;
	_ =	strace $0xD0000000  }
0x3: {  	_ = 	snop  }
0x4: {  	_ = 	snop  }
0x5: {  	_ = 	snop  }
0x6: {  	_ = 	snop  }
0x7: {  	_ = 	snop  }
__scs_overlays_trampoline_lowered:
0x8: {  	[smem:$0x3FAF] =	sst s0  }
0x9: {  	[smem:$0x3FB0] =	sst s1  }
0xa: {  	[smem:$0x3FB1] =	sst s2  }
0xb: {  	[smem:$0x3FB2] =	sst s3  }
0xc: {  	[smem:$0x3FB3] =	sst s4  }
0xd: {  	[smem:$0x3FB4] =	sst s5  }
0xe: {  	[smem:$0x3FB5] =	sst s6  }
0xf: {  	[smem:$0x3FB6] =	sst s7  }
0x10: {  	[smem:$0x3FB7] =	sst s8  }
0x11: {  	[smem:$0x3FB8] =	sst s9;
	s0 =	simm.s32 @!p0 $0x0  }
0x12: {  	s1 =	sld [smem:$0x3F9E];
	s0 =	simm.s32 @p0 $0x1  }
0x13: {  	[smem:$0x3FB9] =	sst s0;
	s0 =	simm.s32 @!p1 $0x0  }
0x14: {  	s2 =	sld [smem:$0x3F9D];
	s0 =	simm.s32 @p1 $0x1  }
0x15: {  	[smem:$0x3FBA] =	sst s0;
	s0 =	simm.s32 @!p2 $0x0  }
0x16: {  	s3 =	sld [smem:$0x3FDB];
	s0 =	simm.s32 @p2 $0x1  }
0x17: {  	s4 =	simm.s32 $0x1BF5;
	[smem:$0x3FBC] =	sst s0  }
0x18: {  	s0 =	sld [smem:$0x3F9F];
	_ =	swait.ge [sflag:s4], $0x0  }
0x19: {  	s7 =	sld [smem:$0x3FA0]  }
0x1a: {  	s8 =	sadd.s32 $0xFFFFE003, lr  }
0x1b: {  	s9 =	sadd.s32 $0xFFFFFEF7, lr;
	s5 =	simm.s32 $0xFFFFFFFF;
	p2 =	slt.u32 s8, $0xFFFFF086  }
0x1c: {  	p1 =	slt.u32 s9, $0xF7A;
	s5 =	simm.s32 @!p2 $0x0  }
0x1d: {  	s5 =	simm.s32 @p1 $0x1;
	p0 =	seq.s32 s7, s2  }
0x1e: {  	s7 =	smul.u32 @!p0 $0xF7A, s2;
	p2 =	seq.s32 @!p0 s5, $0x0  }
0x1f: {  	s9 =	smul.u32 $0xF7A, s1;
	s8 =	simm.s32 @!p0 $0x1BF5;
	p2 =	por !p2, p0  }
0x20: {  	[sflag:s8] =	ssyncset.s32 @!p0 $0xFFFFF086;
	s6 =	sadd.s32 @!p0 s3, s7;
	s7 =	simm.s32 @!p0 $0x108  }
0x21: {  	s3 =	sadd.s32 s3, s9;
	s6 =	sadd.s32 @!p0 $0x88, s6;
	s7 =	simm.s32 @p2 $0x1082  }
0x22: {  	[simem:s7], [sflag:s8] =	dma.local @!p0 [hbm:s6], $0xF7A  }
0x23: {  	s9 =	sor.u32 $0xD0000000, s2;
	s6 =	simm.s32 $0x108;
	_ =	swait.ge @!p0 [sflag:s8], $0x0  }
0x24: {  	s3 =	sadd.s32 $0x88, s3;
	s6 =	simm.s32 @!p1 $0x1082;
	[sflag:s4] =	ssyncset.s32 $0xFFFFF086  }
0x25: {  	[simem:s6], [sflag:s4] =	dma.local [hbm:s3], $0xF7A  }
0x26: {  	[smem:$0x3FA0] =	sst s1;
	(tag) =	ssettag s2;
	_ =	strace s9  }
0x27: {  	s1 =	sld [smem:$0x3FB0]  }
0x28: {  	s2 =	sld [smem:$0x3FB1]  }
0x29: {  	s4 =	sld [smem:$0x3FB3]  }
0x2a: {  	p0 =	seq.s32 s5, $0x0;
	s5 =	sld [smem:$0x3FB4]  }
0x2b: {  	s6 =	sld [smem:$0x3FB5]  }
0x2c: {  	s7 =	sld [smem:$0x3FB6]  }
0x2d: {  	s3 =	simm.s32 $0x108;
	s8 =	sld [smem:$0x3FB7]  }
0x2e: {  	s3 =	simm.s32 @!p0 $0x1082;
	s9 =	sld [smem:$0x3FB8]  }
0x2f: {  	lr =	sadd.s32 s0, s3;
	s0 =	sld [smem:$0x3FAF]  }
0x30: {  	s3 =	sld [smem:$0x3FB2]  }
0x31: {  	[smem:$0x3FBB] =	sst s10  }
0x32: {  	s10 =	sld [smem:$0x3FB9];
	_ =	sdelay $0x3  }
0x33: {  	p0 =	seq.s32 s10, $0x1;
	s10 =	sld [smem:$0x3FBB];
	_ =	sdelay $0x3  }
0x34: {  	[smem:$0x3FBB] =	sst s10  }
0x35: {  	s10 =	sld [smem:$0x3FBA];
	_ =	sdelay $0x3  }
0x36: {  	p1 =	seq.s32 s10, $0x1;
	s10 =	sld [smem:$0x3FBB];
	_ =	sdelay $0x3  }
0x37: {  	[smem:$0x3FBB] =	sst s10  }
0x38: {  	s10 =	sld [smem:$0x3FBC]  }
0x39: {  	_ = 	snop;
	(pc) =	sbr.ind lr, $3  }
0x3a: {  	_ = 	snop  }
0x3b: {  	_ = 	snop  }
0x3c: {  	p2 =	seq.s32 s10, $0x1;
	s10 =	sld [smem:$0x3FBB]  }
0x3d: {  	_ =	shalt  }
0x3e: {  	_ =	shalt  }
0x3f: {  	_ =	shalt  }
0x40: {  	_ =	shalt  }
0x41: {  	_ =	shalt  }
0x42: {  	_ =	shalt  }
0x43: {  	_ =	shalt  }
0x44: {  	_ =	shalt  }
0x45: {  	_ =	shalt  }
0x46: {  	_ =	shalt  }
0x47: {  	_ =	shalt  }
0x48: {  	_ =	shalt  }
0x49: {  	_ =	shalt  }
0x4a: {  	_ =	shalt  }
0x4b: {  	_ =	shalt  }
0x4c: {  	_ =	shalt  }
0x4d: {  	_ =	shalt  }
0x4e: {  	_ =	shalt  }
0x4f: {  	_ =	shalt  }
0x50: {  	_ =	shalt  }
0x51: {  	_ =	shalt  }
0x52: {  	_ =	shalt  }
0x53: {  	_ =	shalt  }
0x54: {  	_ =	shalt  }
0x55: {  	_ =	shalt  }
0x56: {  	_ =	shalt  }
0x57: {  	_ =	shalt  }
0x58: {  	_ =	shalt  }
0x59: {  	_ =	shalt  }
0x5a: {  	_ =	shalt  }
0x5b: {  	_ =	shalt  }
0x5c: {  	_ =	shalt  }
0x5d: {  	_ =	shalt  }
0x5e: {  	_ =	shalt  }
0x5f: {  	_ =	shalt  }
0x60: {  	_ =	shalt  }
0x61: {  	_ =	shalt  }
0x62: {  	_ =	shalt  }
0x63: {  	_ =	shalt  }
0x64: {  	_ =	shalt  }
0x65: {  	_ =	shalt  }
0x66: {  	_ =	shalt  }
0x67: {  	_ =	shalt  }
0x68: {  	_ =	shalt  }
0x69: {  	_ =	shalt  }
0x6a: {  	_ =	shalt  }
0x6b: {  	_ =	shalt  }
0x6c: {  	_ =	shalt  }
0x6d: {  	_ =	shalt  }
0x6e: {  	_ =	shalt  }
0x6f: {  	_ =	shalt  }
0x70: {  	_ =	shalt  }
0x71: {  	_ =	shalt  }
0x72: {  	_ =	shalt  }
0x73: {  	_ =	shalt  }
0x74: {  	_ =	shalt  }
0x75: {  	_ =	shalt  }
0x76: {  	_ =	shalt  }
0x77: {  	_ =	shalt  }
0x78: {  	_ =	shalt  }
0x79: {  	_ =	shalt  }
0x7a: {  	_ =	shalt  }
0x7b: {  	_ =	shalt  }
0x7c: {  	_ =	shalt  }
0x7d: {  	_ =	shalt  }
0x7e: {  	_ =	shalt  }
0x7f: {  	_ =	shalt  }
0x80: {  	_ =	shalt  }
0x81: {  	_ =	shalt  }
0x82: {  	_ =	shalt  }
0x83: {  	_ =	shalt  }
0x84: {  	_ =	shalt  }
0x85: {  	_ =	shalt  }
0x86: {  	_ =	shalt  }
0x87: {  	_ =	shalt  }
.Lfunc_end0:
.L_simem_size_0:
called_computation_lowered:
.L_overlay_start_0:
0x88: {  	s2 =	sld [smem:$0x3FD9]  }
0x89: {  	s3 =	sld [smem:$0x3FFE];
	_ =	sdelay $0x1  }
0x8a: {  	s1 =	srdreg.scid  }
0x8b: {  	s0 =	sand.u32 $0x1, s1  }
0x8c: {  	s17 =	sshll.u32 s0, $0xA;
	s2 =	sadd.s32 s3, s2  }
0x8d: {  	s2 =	sadd.s32 s2, s17  }
0x8e: {  	[smem:$0x3FC7] =	sst s2  }
0x8f: {  	_ = 	snop  }
0x90: {  	s2 =	sld [smem:$0x3FC9];
	(tm) =	ssettm $0x1  }
0x91: {  	s18 =	sld [smem:$0x3FFB];
	_ =	sdelay $0x3  }
0x92: {  	_ =	strace s18  }
0x93: {  	s3 =	sld [smem:$0x3FFC];
	_ =	sdelay $0x3  }
0x94: {  	_ =	strace s3  }
0x95: {  	s3 =	sld [smem:$0x3FFD];
	_ =	sdelay $0x3  }
0x96: {  	_ =	strace s3  }
0x97: {  	_ =	strace $0x8FFFFFFF  }
0x98: {  	s19 =	sld [smem:$0x3FDB];
	_ =	sdelay $0x1  }
0x99: {  	s4 =	simm.s32 $_scs_section_size  }
0x9a: {  	s5 =	simm.s32 $_size__tile_overlayer_lowered;
	s6 =	simm.s32 $_tile_overlayer_lowered  }
0x9b: {  	s22 =	simm.s32 $0x1BFF;
	s21 =	sshll.u32 s6, $0x1;
	s3 =	sadd.s32 s4, s19  }
0x9c: {  	s7 =	simm.s32 $0x0;
	s20 =	sshll.u32 s5, $0x1;
	s5 =	sadd.s32 s21, s3  }
0x9d: {  	[timem:s7], [sflag:s22] =	dma.local [hbm:s5], s20  }
0x9e: {  	_ =	swait.ge [sflag:s22], s20  }
0x9f: {  	s4 =	ssub.s32 $0x0, s20;
	[sflag:s22] =	ssyncset.done $0x0  }
0xa0: {  	[sflag:s22] =	ssyncadd.s32 s4;
	_ =	sdelay $0x1  }
0xa1: {  	s23 =	simm.s32 $0x1B8B  }
0xa2: {  	_ =	swait.ge [sflag:s23], $0x1  }
0xa3: {  	[sflag:s23] =	ssyncset.done $0x0  }
0xa4: {  	s25 =	simm.s32 $0x1B8E;
	s24 =	sld [smem:$0x3FFE];
	[sflag:s23] =	ssyncadd.s32 $0xFFFFFFFF  }
0xa5: {  	s26 =	simm.s32 $execute0_lowered;
	[smem:$0x3FD2] =	sst s25  }
0xa6: {  	s5 =	sshll.u32 s26, $0x1;
	_ =	strace $0x80000046;
	[dreg:$0x1] =	wrdreg $0xFFFFFFFF  }
0xa7: {  	s28 =	simm.s32 $_size_execute0_lowered;
	s3 =	sadd.s32 s3, s5;
	[dreg:$0x0] =	wrdreg $0x0  }
0xa8: {  	s5 =	sshll.u32 s28, $0x1;
	[dreg:$0x2] =	wrdreg s3  }
0xa9: {  	[dreg:$0x3] =	wrdreg s5  }
0xaa: {  	[dreg:$0x4] =	wrdreg $0xC0  }
0xab: {  	_ =	task [dreg:s7], $0x5FFFF  }
0xac: {  	[dreg:$0x1] =	wrdreg $0xFFFFFFFF  }
0xad: {  	[dreg:$0x0] =	wrdreg $0x60  }
0xae: {  	[dreg:$0x2] =	wrdreg s2  }
0xaf: {  	[dreg:$0x3] =	wrdreg s24  }
0xb0: {  	[dreg:$0x4] =	wrdreg $0x0  }
0xb1: {  	[dreg:$0x5] =	wrdreg $0x9  }
0xb2: {  	_ =	task.clear_ibuf [dreg:s7], $0x6FFFF;
	_ =	strace $0x90000046  }
0xb3: {  	s29 =	simm.s32 $0x9;
	_ =	strace $0x80000048  }
0xb4: {  	_ =	swait.ge [sflag:s29], $0x1  }
0xb5: {  	[sflag:s29] =	ssyncadd.s32 $0xFFFFFFFF  }
0xb6: {  	_ =	strace $0x90000048  }
0xb7: {  	_ =	sfence  }
0xb8: {  	s30 =	sld [smem:$0x0];
	_ =	sdelay $0x2  }
0xb9: {  	s31 =	sshll.u32 s1, $0xD;
	s1 =	sshrl.u32 s1, $0x2  }
0xba: {  	s3 =	sand.u32 $0x4000, s31;
	s1 =	sadd.s32 s1, s30  }
0xbb: {  	s0 =	sor.u32 s3, s0;
	s1 =	sshll.u32 s1, $0x11  }
0xbc: {  	s0 =	sor.u32 s1, s0  }
0xbd: {  	s0 =	sadd.s32 $0x8F2B, s0  }
0xbe: {  	[sflag:s0] =	ssyncadd.remote.s32 $0x1  }
0xbf: {  	_ =	sfence.sel $0xFFFF  }
0xc0: {  	[dreg:$0x0] =	wrdreg $0xFFFFFFFF;
	(pc) =	sbr.abs _section_cstart, $3  }
0xc1: {  	[dreg:$0x1] =	wrdreg $0xFFFFFFFF  }
0xc2: {  	_ =	task.clear_ibuf [dreg:s7], $0x2FFFF;
	_ =	strace $0x9FFFFFFF  }
0xc3: {  	(tm) =	ssettm $0x7FFFFFFF  }
tec
execute0_lowered:
.L_overlay_start_1:
0x0: {  	(tag) =	ssettag $0x1  }
0x1: {  	s0 =	rddreg [dreg:$0x0]  }
0x2: {  	s1 =	rddreg [dreg:$0x1];
	s3 =	srdreg.scid  }
0x3: {  	s2 =	rddreg [dreg:$0x2];
	s16 =	stileid.u32;
	s17 =	simm.s32 $0x2  }
0x4: {  	s28 =	simm.s32 $0x2A00;
	s29 =	simm.s32 $0x2A80;
	s7 =	smul.u32 $0x280, s16  }
0x5: {  	s30 =	simm.s32 $0x2B00;
	s31 =	simm.s32 $0x2B80;
	s4 =	smul.u32 $0xA000, s16  }
0x6: {  	s5 =	sand.u32 $0x1, s3;
	s3 =	simm.s32 $0x0;
	s25 =	smul.u32 $0xC800, s16  }
0x7: {  	s16 =	simm.s32 $0x2C00;
	s6 =	smul.u32 $0x2800, s5;
	[smem:$0x7FF] =	sst s3  }
0x8: {  	s8 =	ssub.s32 $0x2, s5;
	s5 =	smul.u32 $0x6400, s5;
	_ =	strace $0x80000047  }
0x9: {  	s10 =	sshrl.u32 s8, $0x1;
	s4 =	sshrl.u32 s4, $0x2;
	s12 =	sadd.s32 $0x80, s7  }
0xa: {  	s13 =	sadd.s32 $0x100, s7;
	s21 =	sadd.s32 $0x180, s7;
	s9 =	sadd.s32 s6, s7  }
0xb: {  	s8 =	ssub.s32 s8, s10;
	s4 =	sadd.s32 s4, s2;
	s11 =	sadd.s32 s6, s12  }
0xc: {  	s12 =	sshll.u32 s12, $0x4;
	s14 =	sadd.s32 s6, s13;
	s13 =	sshll.u32 s13, $0x4  }
0xd: {  	s15 =	sadd.s32 s6, s21;
	s7 =	sadd.s32 $0x200, s7;
	s5 =	sadd.s32 s5, s25  }
0xe: {  	s9 =	sshll.u32 s9, $0x1;
	s8 =	smax.u32 s8, $0x1;
	s18 =	sadd.s32 $0x800, s4  }
0xf: {  	s19 =	sadd.s32 $0x1000, s4;
	s10 =	sadd.s32 $0x2000, s4;
	s11 =	sshll.u32 s11, $0x1  }
0x10: {  	s22 =	sadd.s32 s12, s2;
	s20 =	sshll.u32 s14, $0x1;
	s23 =	sadd.s32 s13, s2  }
0x11: {  	s24 =	sshll.u32 s15, $0x1;
	s14 =	sshll.u32 s21, $0x4;
	s6 =	sadd.s32 s6, s7  }
0x12: {  	s7 =	sshll.u32 s7, $0x4;
	s5 =	sshrl.u32 s5, $0x3;
	[dreg:$0x5] =	wrdreg s8  }
0x13: {  	s21 =	simm.s32 $0x2900;
	s9 =	sadd.s32 s1, s9;
	[dreg:$0x6] =	wrdreg s18  }
0x14: {  	[dreg:$0x7] =	wrdreg s19;
	s11 =	sadd.s32 s1, s11;
	s12 =	sadd.s32 s1, s20  }
0x15: {  	s13 =	sadd.s32 s1, s24;
	s24 =	sadd.s32 s14, s2;
	s6 =	sshll.u32 s6, $0x1  }
0x16: {  	s26 =	sadd.s32 s7, s2;
	s15 =	sadd.s32 s5, s0;
	s18 =	simm.s32 $0x2800  }
0x17: {  	s19 =	simm.s32 $0x80;
	s20 =	simm.s32 $0x2880;
	s22 =	sshrl.u32 s22, $0x3  }
0x18: {  	s23 =	sshrl.u32 s23, $0x3;
	s0 =	simm.s32 $0x1;
	[dreg:$0x4] =	wrdreg s9  }
0x19: {  	s9 =	sadd.s32 $0x1800, s4;
	s14 =	sadd.s32 s1, s6;
	s24 =	sshrl.u32 s24, $0x3  }
0x1a: {  	v0 =	vimm.f32 $0.0e+00;
	v1 =	vimm.f32 $1.000000000e+00;
	s25 =	sshrl.u32 s26, $0x3;
	s26 =	simm.s32 $0x2980;
	s1 =	simm.s32 $0x0  }
.LBB2_1:
0x1b: {  	s5 =	simm.s32 $0x40;
	s6 =	simm.s32 $0x0  }
.LBB2_2:
0x1c: {  	p0 =	sne.s32 s5, $0x1FC0;
	[tilespmem:s6+$0x2C00] =	vst v0;
	s6 =	smov.u32 s5;
	s5 =	sadd.s32 $0x40, s5  }
.Ltmp0:
0x1d: {  	(pc) =	sbr.rel @p0 .LBB2_2-.Ltmp0, $2  }
0x1e: {  	_ =	sdelay $0x2  }
0x1f: {  	s6 =	sshra.s32 s6, $0x2  }
0x20: {  	[tilespmem:s6+$0x2C00] =	vst v0  }
0x21: {  	[spmem:s4] =	stream.linear.scatter [tilespmem:s16], [sflag:$0x2], $0x800, $0x38;
	[tilespmem:$0x3400] =	vst v63  }
0x22: {  	_ =	swait.ge [sflag:s17], $0x800  }
0x23: {  	[sflag:s17] =	ssyncset.done $0x0  }
0x24: {  	s5 =	rddreg [dreg:$0x6];
	[sflag:s17] =	ssyncadd.s32 $0xFFFFF800  }
0x25: {  	[spmem:s5] =	stream.linear.scatter [tilespmem:s16], [sflag:$0x2], $0x800, $0x38;
	[tilespmem:$0x3400] =	vst v63  }
0x26: {  	_ =	swait.ge [sflag:s17], $0x800  }
0x27: {  	[sflag:s17] =	ssyncset.done $0x0  }
0x28: {  	s8 =	rddreg [dreg:$0x7];
	[sflag:s17] =	ssyncadd.s32 $0xFFFFF800  }
0x29: {  	[spmem:s8] =	stream.linear.scatter [tilespmem:s16], [sflag:$0x2], $0x800, $0x38;
	[tilespmem:$0x3400] =	vst v63  }
0x2a: {  	_ =	swait.ge [sflag:s17], $0x800  }
0x2b: {  	[sflag:s17] =	ssyncset.done $0x0  }
0x2c: {  	[sflag:s17] =	ssyncadd.s32 $0xFFFFF800  }
0x2d: {  	[spmem:s9] =	stream.linear.scatter [tilespmem:s16], [sflag:$0x2], $0x800, $0x38;
	[tilespmem:$0x3400] =	vst v63  }
0x2e: {  	_ =	swait.ge [sflag:s17], $0x800  }
0x2f: {  	[sflag:s17] =	ssyncset.done $0x0  }
0x30: {  	[sflag:s17] =	ssyncadd.s32 $0xFFFFF800  }
0x31: {  	[spmem:s10] =	stream.linear.scatter [tilespmem:s16], [sflag:$0x2], $0x800, $0x38;
	[tilespmem:$0x3400] =	vst v63  }
0x32: {  	_ =	swait.ge [sflag:s17], $0x800  }
0x33: {  	[sflag:s17] =	ssyncset.done $0x0  }
0x34: {  	s6 =	simm.s32 $0x0;
	s5 =	simm.s32 $0x40;
	[sflag:s17] =	ssyncadd.s32 $0xFFFFF800  }
.LBB2_4:
0x35: {  	p0 =	sne.s32 s5, $0x1FC0;
	[tilespmem:s6+$0x2C00] =	vst v1;
	s6 =	smov.u32 s5;
	s5 =	sadd.s32 $0x40, s5  }
.Ltmp1:
0x36: {  	(pc) =	sbr.rel @p0 .LBB2_4-.Ltmp1, $2  }
0x37: {  	_ =	sdelay $0x2  }
0x38: {  	s6 =	sshra.s32 s6, $0x2  }
0x39: {  	[tilespmem:s6+$0x2C00] =	vst v1  }
0x3a: {  	s5 =	sadd.s32 $0x0, s15;
	[bflag:$0x0] =	sbarrier.arrive $0xFFFF  }
0x3b: {  	[tilespmem:s18], [sflag:$0x2] =	stream.linear.gather [hbm4b:s5+s3], $0x400, $0x38;
	[tilespmem:$0x3400] =	vst v63  }
0x3c: {  	_ =	swait.ge [sflag:s17], $0x400  }
0x3d: {  	[sflag:s17] =	ssyncset.done $0x0  }
0x3e: {  	[sflag:s17] =	ssyncadd.s32 $0xFFFFFC00  }
0x3f: {  	[spmem:s2] =	stream.indirect.scatter.add.f32 [tilespmem:s16], [sflag:$0x1], $0x10, s18, s19, $0xb8;
	[tilespmem:$0x3400] =	vst v63  }
0x40: {  	_ = 	snop  }
0x41: {  	[spmem:s2] =	stream.indirect.scatter.add.f32 [tilespmem:s16], [sflag:$0x1], $0x10, s20, s19, $0xb8;
	[tilespmem:$0x3400] =	vst v63  }
0x42: {  	_ = 	snop  }
0x43: {  	[spmem:s2] =	stream.indirect.scatter.add.f32 [tilespmem:s16], [sflag:$0x1], $0x10, s21, s19, $0xb8;
	[tilespmem:$0x3400] =	vst v63  }
0x44: {  	_ = 	snop  }
0x45: {  	[spmem:s2] =	stream.indirect.scatter.add.f32 [tilespmem:s16], [sflag:$0x1], $0x10, s26, s19, $0xb8;
	[tilespmem:$0x3400] =	vst v63  }
0x46: {  	_ = 	snop  }
0x47: {  	[spmem:s2] =	stream.indirect.scatter.add.f32 [tilespmem:s16], [sflag:$0x1], $0x10, s28, s19, $0xb8;
	[tilespmem:$0x3400] =	vst v63  }
0x48: {  	_ = 	snop  }
0x49: {  	[spmem:s2] =	stream.indirect.scatter.add.f32 [tilespmem:s16], [sflag:$0x1], $0x10, s29, s19, $0xb8;
	[tilespmem:$0x3400] =	vst v63  }
0x4a: {  	_ = 	snop  }
0x4b: {  	[spmem:s2] =	stream.indirect.scatter.add.f32 [tilespmem:s16], [sflag:$0x1], $0x10, s30, s19, $0xb8;
	[tilespmem:$0x3400] =	vst v63  }
0x4c: {  	_ = 	snop  }
0x4d: {  	[spmem:s2] =	stream.indirect.scatter.add.f32 [tilespmem:s16], [sflag:$0x1], $0x10, s31, s19, $0xb8;
	[tilespmem:$0x3400] =	vst v63  }
0x4e: {  	_ =	swait.ge [sflag:s0], $0x800  }
0x4f: {  	[sflag:s0] =	ssyncset.done $0x0  }
0x50: {  	[sflag:s0] =	ssyncadd.s32 $0xFFFFF800  }
0x51: {  	_ =	swait.ge [sflag:s0], $0x800  }
0x52: {  	[sflag:s0] =	ssyncset.done $0x0  }
0x53: {  	[sflag:s0] =	ssyncadd.s32 $0xFFFFF800  }
0x54: {  	_ =	swait.ge [sflag:s0], $0x800  }
0x55: {  	[sflag:s0] =	ssyncset.done $0x0  }
0x56: {  	[sflag:s0] =	ssyncadd.s32 $0xFFFFF800  }
0x57: {  	_ =	swait.ge [sflag:s0], $0x800  }
0x58: {  	[sflag:s0] =	ssyncset.done $0x0  }
0x59: {  	[sflag:s0] =	ssyncadd.s32 $0xFFFFF800  }
0x5a: {  	_ =	swait.ge [sflag:s0], $0x800  }
0x5b: {  	[sflag:s0] =	ssyncset.done $0x0  }
0x5c: {  	[sflag:s0] =	ssyncadd.s32 $0xFFFFF800  }
0x5d: {  	_ =	swait.ge [sflag:s0], $0x800  }
0x5e: {  	[sflag:s0] =	ssyncset.done $0x0  }
0x5f: {  	[sflag:s0] =	ssyncadd.s32 $0xFFFFF800  }
0x60: {  	_ =	swait.ge [sflag:s0], $0x800  }
0x61: {  	[sflag:s0] =	ssyncset.done $0x0  }
0x62: {  	[sflag:s0] =	ssyncadd.s32 $0xFFFFF800  }
0x63: {  	_ =	swait.ge [sflag:s0], $0x800  }
0x64: {  	s6 =	simm.s32 $0x100;
	s5 =	simm.s32 $0x80;
	[sflag:s0] =	ssyncset.done $0x0  }
.LBB2_6:
0x65: {  	s8 =	sadd.s32 s5, s15  }
0x66: {  	[sflag:s0] =	ssyncadd.s32 $0xFFFFF800;
	s5 =	smov.u32 s6;
	s7 =	sadd.s32 $0x80, s6  }
0x67: {  	[tilespmem:s18], [sflag:$0x2] =	stream.linear.gather [hbm4b:s8+s3], $0x400, $0x38;
	[tilespmem:$0x3400] =	vst v63  }
0x68: {  	p0 =	sne.s32 s6, $0xC00;
	_ =	swait.ge [sflag:s17], $0x400  }
0x69: {  	[sflag:s17] =	ssyncset.done $0x0  }
0x6a: {  	[sflag:s17] =	ssyncadd.s32 $0xFFFFFC00  }
0x6b: {  	[spmem:s2] =	stream.indirect.scatter.add.f32 [tilespmem:s16], [sflag:$0x1], $0x10, s18, s19, $0xb8;
	[tilespmem:$0x3400] =	vst v63  }
0x6c: {  	_ = 	snop  }
0x6d: {  	[spmem:s2] =	stream.indirect.scatter.add.f32 [tilespmem:s16], [sflag:$0x1], $0x10, s20, s19, $0xb8;
	[tilespmem:$0x3400] =	vst v63  }
0x6e: {  	_ = 	snop  }
0x6f: {  	[spmem:s2] =	stream.indirect.scatter.add.f32 [tilespmem:s16], [sflag:$0x1], $0x10, s21, s19, $0xb8;
	[tilespmem:$0x3400] =	vst v63  }
0x70: {  	_ = 	snop  }
0x71: {  	[spmem:s2] =	stream.indirect.scatter.add.f32 [tilespmem:s16], [sflag:$0x1], $0x10, s26, s19, $0xb8;
	[tilespmem:$0x3400] =	vst v63  }
0x72: {  	_ = 	snop  }
0x73: {  	[spmem:s2] =	stream.indirect.scatter.add.f32 [tilespmem:s16], [sflag:$0x1], $0x10, s28, s19, $0xb8;
	[tilespmem:$0x3400] =	vst v63  }
0x74: {  	_ = 	snop  }
0x75: {  	[spmem:s2] =	stream.indirect.scatter.add.f32 [tilespmem:s16], [sflag:$0x1], $0x10, s29, s19, $0xb8;
	[tilespmem:$0x3400] =	vst v63  }
0x76: {  	_ = 	snop  }
0x77: {  	[spmem:s2] =	stream.indirect.scatter.add.f32 [tilespmem:s16], [sflag:$0x1], $0x10, s30, s19, $0xb8;
	[tilespmem:$0x3400] =	vst v63  }
0x78: {  	_ = 	snop  }
0x79: {  	[spmem:s2] =	stream.indirect.scatter.add.f32 [tilespmem:s16], [sflag:$0x1], $0x10, s31, s19, $0xb8;
	[tilespmem:$0x3400] =	vst v63  }
0x7a: {  	_ =	swait.ge [sflag:s0], $0x800  }
0x7b: {  	[sflag:s0] =	ssyncset.done $0x0  }
0x7c: {  	[sflag:s0] =	ssyncadd.s32 $0xFFFFF800  }
0x7d: {  	_ =	swait.ge [sflag:s0], $0x800  }
0x7e: {  	[sflag:s0] =	ssyncset.done $0x0  }
0x7f: {  	[sflag:s0] =	ssyncadd.s32 $0xFFFFF800  }
0x80: {  	_ =	swait.ge [sflag:s0], $0x800  }
0x81: {  	[sflag:s0] =	ssyncset.done $0x0  }
0x82: {  	[sflag:s0] =	ssyncadd.s32 $0xFFFFF800  }
0x83: {  	_ =	swait.ge [sflag:s0], $0x800  }
0x84: {  	[sflag:s0] =	ssyncset.done $0x0  }
0x85: {  	[sflag:s0] =	ssyncadd.s32 $0xFFFFF800  }
0x86: {  	_ =	swait.ge [sflag:s0], $0x800  }
0x87: {  	[sflag:s0] =	ssyncset.done $0x0  }
0x88: {  	[sflag:s0] =	ssyncadd.s32 $0xFFFFF800  }
0x89: {  	_ =	swait.ge [sflag:s0], $0x800  }
0x8a: {  	[sflag:s0] =	ssyncset.done $0x0  }
0x8b: {  	[sflag:s0] =	ssyncadd.s32 $0xFFFFF800  }
.Ltmp2:
0x8c: {  	_ =	swait.ge [sflag:s0], $0x800;
	(pc) =	sbr.rel @p0 .LBB2_6-.Ltmp2, $4  }
0x8d: {  	[sflag:s0] =	ssyncset.done $0x0  }
0x8e: {  	[sflag:s0] =	ssyncadd.s32 $0xFFFFF800  }
0x8f: {  	_ =	swait.ge [sflag:s0], $0x800  }
0x90: {  	s6 =	smov.u32 s7;
	[sflag:s0] =	ssyncset.done $0x0  }
0x91: {  	s5 =	sadd.s32 s5, s15;
	[sflag:s0] =	ssyncadd.s32 $0xFFFFF800  }
0x92: {  	[tilespmem:s18], [sflag:$0x2] =	stream.linear.gather [hbm4b:s5+s3], $0x400, $0x38;
	[tilespmem:$0x3400] =	vst v63  }
0x93: {  	_ =	swait.ge [sflag:s17], $0x400  }
0x94: {  	[sflag:s17] =	ssyncset.done $0x0  }
0x95: {  	[sflag:s17] =	ssyncadd.s32 $0xFFFFFC00  }
0x96: {  	[spmem:s2] =	stream.indirect.scatter.add.f32 [tilespmem:s16], [sflag:$0x1], $0x10, s18, s19, $0xb8;
	[tilespmem:$0x3400] =	vst v63  }
0x97: {  	_ = 	snop  }
0x98: {  	[spmem:s2] =	stream.indirect.scatter.add.f32 [tilespmem:s16], [sflag:$0x1], $0x10, s20, s19, $0xb8;
	[tilespmem:$0x3400] =	vst v63  }
0x99: {  	_ = 	snop  }
0x9a: {  	[spmem:s2] =	stream.indirect.scatter.add.f32 [tilespmem:s16], [sflag:$0x1], $0x10, s21, s19, $0xb8;
	[tilespmem:$0x3400] =	vst v63  }
0x9b: {  	_ = 	snop  }
0x9c: {  	[spmem:s2] =	stream.indirect.scatter.add.f32 [tilespmem:s16], [sflag:$0x1], $0x10, s26, s19, $0xb8;
	[tilespmem:$0x3400] =	vst v63  }
0x9d: {  	_ = 	snop  }
0x9e: {  	[spmem:s2] =	stream.indirect.scatter.add.f32 [tilespmem:s16], [sflag:$0x1], $0x10, s28, s19, $0xb8;
	[tilespmem:$0x3400] =	vst v63  }
0x9f: {  	_ = 	snop  }
0xa0: {  	[spmem:s2] =	stream.indirect.scatter.add.f32 [tilespmem:s16], [sflag:$0x1], $0x10, s29, s19, $0xb8;
	[tilespmem:$0x3400] =	vst v63  }
0xa1: {  	_ = 	snop  }
0xa2: {  	[spmem:s2] =	stream.indirect.scatter.add.f32 [tilespmem:s16], [sflag:$0x1], $0x10, s30, s19, $0xb8;
	[tilespmem:$0x3400] =	vst v63  }
0xa3: {  	_ = 	snop  }
0xa4: {  	[spmem:s2] =	stream.indirect.scatter.add.f32 [tilespmem:s16], [sflag:$0x1], $0x10, s31, s19, $0xb8;
	[tilespmem:$0x3400] =	vst v63  }
0xa5: {  	_ =	swait.ge [sflag:s0], $0x800  }
0xa6: {  	[sflag:s0] =	ssyncset.done $0x0  }
0xa7: {  	[sflag:s0] =	ssyncadd.s32 $0xFFFFF800  }
0xa8: {  	_ =	swait.ge [sflag:s0], $0x800  }
0xa9: {  	[sflag:s0] =	ssyncset.done $0x0  }
0xaa: {  	[sflag:s0] =	ssyncadd.s32 $0xFFFFF800  }
0xab: {  	_ =	swait.ge [sflag:s0], $0x800  }
0xac: {  	[sflag:s0] =	ssyncset.done $0x0  }
0xad: {  	[sflag:s0] =	ssyncadd.s32 $0xFFFFF800  }
0xae: {  	_ =	swait.ge [sflag:s0], $0x800  }
0xaf: {  	[sflag:s0] =	ssyncset.done $0x0  }
0xb0: {  	[sflag:s0] =	ssyncadd.s32 $0xFFFFF800  }
0xb1: {  	_ =	swait.ge [sflag:s0], $0x800  }
0xb2: {  	[sflag:s0] =	ssyncset.done $0x0  }
0xb3: {  	[sflag:s0] =	ssyncadd.s32 $0xFFFFF800  }
0xb4: {  	_ =	swait.ge [sflag:s0], $0x800  }
0xb5: {  	[sflag:s0] =	ssyncset.done $0x0  }
0xb6: {  	[sflag:s0] =	ssyncadd.s32 $0xFFFFF800  }
0xb7: {  	_ =	swait.ge [sflag:s0], $0x800  }
0xb8: {  	[sflag:s0] =	ssyncset.done $0x0  }
0xb9: {  	[sflag:s0] =	ssyncadd.s32 $0xFFFFF800  }
0xba: {  	_ =	swait.ge [sflag:s0], $0x800  }
0xbb: {  	[sflag:s0] =	ssyncset.done $0x0  }
0xbc: {  	s7 =	stileid.u32;
	[sflag:s0] =	ssyncadd.s32 $0xFFFFF800  }
0xbd: {  	s5 =	sshll.u32 s7, $0x6;
	[bflag:$0x0] =	sbarrier.arrive $0xFFFF  }
0xbe: {  	s6 =	sshrl.u32 s4, $0x3;
	s5 =	sor.u32 $0x1C02, s5;
	s7 =	rddreg [dreg:$0x4]  }
0xbf: {  	[hbm:s7], [sflag:s5] =	dma.local [spmem:s6], $0x100  }
0xc0: {  	_ =	swait.ge [sflag:s17], $0x100  }
0xc1: {  	[sflag:s17] =	ssyncset.done $0x0  }
0xc2: {  	[sflag:s17] =	ssyncadd.s32 $0xFFFFFF00  }
0xc3: {  	[hbm:s11], [sflag:s5] =	dma.local [spmem:s22], $0x100  }
0xc4: {  	_ =	swait.ge [sflag:s17], $0x100  }
0xc5: {  	[sflag:s17] =	ssyncset.done $0x0  }
0xc6: {  	[sflag:s17] =	ssyncadd.s32 $0xFFFFFF00  }
0xc7: {  	[hbm:s12], [sflag:s5] =	dma.local [spmem:s23], $0x100  }
0xc8: {  	_ =	swait.ge [sflag:s17], $0x100  }
0xc9: {  	[sflag:s17] =	ssyncset.done $0x0  }
0xca: {  	[sflag:s17] =	ssyncadd.s32 $0xFFFFFF00  }
0xcb: {  	[hbm:s13], [sflag:s5] =	dma.local [spmem:s24], $0x100  }
0xcc: {  	_ =	swait.ge [sflag:s17], $0x100  }
0xcd: {  	[sflag:s17] =	ssyncset.done $0x0  }
0xce: {  	[sflag:s17] =	ssyncadd.s32 $0xFFFFFF00  }
0xcf: {  	[hbm:s14], [sflag:s5] =	dma.local [spmem:s25], $0x100  }
0xd0: {  	_ =	swait.ge [sflag:s17], $0x100  }
0xd1: {  	s1 =	sadd.s32 $0x1, s1;
	s8 =	rddreg [dreg:$0x5]  }
0xd2: {  	p0 =	sne.s32 s1, s8  }
.Ltmp3:
0xd3: {  	_ = 	snop;
	(pc) =	sbr.rel @p0 .LBB2_1-.Ltmp3, $3  }
0xd4: {  	_ =	sdelay $0x1  }
0xd5: {  	[sflag:s17] =	ssyncset.done $0x0  }
0xd6: {  	[sflag:s17] =	ssyncadd.s32 $0xFFFFFF00  }
0xd7: {  	_ =	sfence.sel $0x180000  }
0xd8: {  	[bflag:$0x0] =	sbarrier.arrive $0xFFFF  }
0xd9: {  	_ =	strace $0x90000047  }
0xda: {  	s0 =	stileid.u32;
	[bflag:$0x2] =	sbarrier.arrive $0xFFFF  }
0xdb: {  	p0 =	sne.s32 s0, $0x0;
	s0 =	rddreg [dreg:$0x3]  }
0xdc: {  	s0 =	sadd.s32 @!p0 $0x100000, s0  }
0xdd: {  	[sflag:s0] =	ssyncadd.tile.s32 @!p0 $0x1;
	_ =	shalt  }
.Lfunc_end2:
_tile_overlayer_lowered:
.L_overlay_start_2:
0xde: {  	(tag) =	ssettag $0x2  }
0xdf: {  	s0 =	rddreg [dreg:$0x0];
	s2 =	stileid.u32  }
0xe0: {  	s1 =	rddreg [dreg:$0x1];
	p0 =	sne.s32 s2, $0x0  }
0xe1: {  	s3 =	rddreg [dreg:$0x2];
	[bflag:$0x3] =	sbarrier.arrive $0xFFFF;
	s2 =	simm.s32 @!p0 $0x1C02  }
0xe2: {  	[timem:s3], [sflag:s2] =	dma.local @!p0 [hbm:s0], s1  }
0xe3: {  	s0 =	simm.s32 @!p0 $0x2  }
0xe4: {  	_ =	swait.ge @!p0 [sflag:s0], s1  }
0xe5: {  	s1 =	ssub.s32 @!p0 $0x0, s1;
	[sflag:s0] =	ssyncset.done @!p0 $0x0  }
0xe6: {  	[sflag:s0] =	ssyncadd.s32 @!p0 s1  }
0xe7: {  	[bflag:$0x3] =	sbarrier.arrive $0xFFFF  }
0xe8: {  	_ =	shalt  }

</sc_bundles>
